<compile_context>
chip_gen: v7x
topology: tpu7x:2x2x1
jax: 0.10.2.dev20260603
libtpu: 0.0.44.dev20260713+nightly
codegen_flags: <defaults>
</compile_context>

<pallas_src>
import functools

import jax
import jax.numpy as jnp
from jax import lax
from jax.experimental import pallas as pl
from jax.experimental.pallas import tpu as pltpu
from jax.experimental.pallas import tpu_sc as plsc

NUM_WORKERS = 32
NVAR = 16
LAG = 2
G_ROW = 4224


def _expand_kernel(n, nh, heads_per_worker):
    mesh = plsc.VectorSubcoreMesh(core_axis_name="c", subcore_axis_name="s")
    blocks_per_head = n // 8 // NVAR

    @functools.partial(
        pl.kernel,
        out_type=jax.ShapeDtypeStruct((1, nh, n, n), jnp.float32),
        mesh=mesh,
        scratch_types=[
            pltpu.VMEM((2, 8, G_ROW), jnp.float32),
            pltpu.SemaphoreType.DMA,
            pltpu.SemaphoreType.DMA,
        ],
    )
    def expand(g_hbm, out_hbm, buf, sem, stage_sem):
        wid = lax.axis_index("s") * 2 + lax.axis_index("c")
        v = wid & (NVAR - 1)
        half = wid >> 4
        h0 = half * heads_per_worker

        def drain_one():
            pltpu.make_async_copy(
                g_hbm.at[0, pl.ds(0, 8), pl.ds(0, n)],
                buf.at[0, :, pl.ds(0, n)], sem).wait()

        def stage(h, slot):
            return pltpu.async_copy(
                g_hbm.at[h, pl.ds(pl.multiple_of(8 * v, 8), 8), :],
                buf.at[slot], stage_sem)

        stage(h0, 0).wait()

        for hh in range(heads_per_worker):
            h = h0 + hh
            slot = hh % 2
            if hh + 1 < heads_per_worker:
                nxt = stage(h + 1, 1 - slot)

            def b_body(B, carry, h=h, slot=slot):
                i0 = pl.multiple_of(128 * B + 8 * v, 8)
                col = pl.multiple_of(2048 - 128 * B, 128)
                pltpu.async_copy(buf.at[slot, :, pl.ds(col, n)],
                                 out_hbm.at[0, h, pl.ds(i0, 8), :], sem)

                @pl.when(B >= LAG)
                def _drain_prev():
                    drain_one()

                return carry

            lax.fori_loop(0, blocks_per_head, b_body, 0)
            for _ in range(LAG):
                drain_one()
            if hh + 1 < heads_per_worker:
                nxt.wait()

    return expand


def kernel(q_len, k_len, bias_table):
    t_rows, nh = bias_table.shape
    n = (t_rows + 1) // 2
    assert n % (8 * NVAR) == 0 and nh % (NUM_WORKERS // NVAR) == 0
    heads_per_worker = nh // (NUM_WORKERS // NVAR)
    assert n // 8 // NVAR >= LAG

    base = jnp.asarray(k_len, jnp.int32) - n + jnp.asarray(q_len, jnp.int32) - 1
    u = jnp.arange(2 * n - 1, dtype=jnp.int32)
    ext_idx = jnp.clip(u - (n - 1) + base, 0, t_rows - 1)
    ext_t = bias_table[ext_idx].T

    ext_len = 2 * n - 1
    p_len = G_ROW + 1
    assert G_ROW - ext_len >= 128
    z = jnp.pad(ext_t, ((0, 0), (1, p_len - ext_len - 1)))
    tiled = jnp.broadcast_to(z[:, None, :], (nh, 128, p_len))
    flat = tiled.reshape(nh, 128 * p_len)[:, :128 * G_ROW]
    g3 = flat.reshape(nh, 128, G_ROW)

    expand = _expand_kernel(n, nh, heads_per_worker)
    return expand(g3)

# --- scband reference (transcript-rebuilt; emitter-appended) ---
"""Pipeline reference for scband-relative-position-bias-62311385530778 (READ-ONLY COPY).

The authoritative reference and input builder live on the scoring server;
editing this copy changes nothing except your own understanding.
"""

import jax, jax.numpy as jnp
import numpy as np

MAX_DISTANCE = 2048
NUM_HEADS = 12

def setup_inputs(seed: int = 0) -> dict:
    key = jax.random.key(seed)
    bias_table = jax.random.normal(key, (2 * MAX_DISTANCE - 1, NUM_HEADS), dtype=jnp.float32)
    return {"q_len": 2048, "k_len": 2048, "bias_table": bias_table}

def reference(q_len, k_len, bias_table):
    q_static = (bias_table.shape[0] + 1) // 2
    k_static = (bias_table.shape[0] + 1) // 2
    q_pos = jnp.arange(q_static, dtype=jnp.int32)
    k_pos = jnp.arange(k_static, dtype=jnp.int32) + jnp.asarray(k_len - k_static, dtype=jnp.int32)
    rel_pos = k_pos[None, :] - q_pos[:, None]
    rel_pos = jnp.clip(rel_pos + jnp.asarray(q_len, dtype=jnp.int32) - 1, 0, 2 * MAX_DISTANCE - 2)
    bias = jnp.take(bias_table, rel_pos, axis=0)
    return jnp.transpose(bias, (2, 0, 1))[None, ...]

if __name__ == "__main__":
    import jax
    _d = setup_inputs()
    print(jax.jit(kernel)(*tuple(_d.values())))

</pallas_src>

<mosaic_0001>
#map = affine_map<(d0, d1) -> (0, 0, 0)>
#map1 = affine_map<(d0, d1) -> (0, 0, 0, 0)>
module attributes {stable_mosaic.version = 14 : i64} {
  func.func @expand(%arg0: i32, %arg1: i32, %arg2: memref<12x128x4224xf32, #tpu.memory_space<hbm>>, %arg3: memref<1x12x2048x2048xf32, #tpu.memory_space<hbm>>, %arg4: memref<2x8x4224xf32, #tpu.memory_space<vmem>>, %arg5: memref<!tpu.dma_semaphore, #tpu.memory_space<semaphore_mem>>, %arg6: memref<!tpu.dma_semaphore, #tpu.memory_space<semaphore_mem>>) attributes {dimension_semantics = [#tpu.dimension_semantics<core_parallel>, #tpu.dimension_semantics<subcore_parallel>], iteration_bounds = array<i64: 2, 16>, scalar_prefetch = 0 : i64, scratch_operands = 3 : i64, tpu.core_type = #tpu.core_type<sc_vector_subcore>, window_params = [{transform_indices = #map}, {transform_indices = #map1}]} {
    %mul3A = arith.constant 2 : i32
    %mul3A_0 = arith.muli %arg1, %mul3A : i32
    %add3A = arith.addi %mul3A_0, %arg0 : i32
    %and3A = arith.constant 15 : i32
    %and3A_1 = arith.andi %add3A, %and3A : i32
    %shift_right_arithmetic3A = arith.constant 4 : i32
    %shift_right_arithmetic3A_2 = arith.shrsi %add3A, %shift_right_arithmetic3A : i32
    %mul3A_3 = arith.constant 6 : i32
    %mul3A_4 = arith.muli %shift_right_arithmetic3A_2, %mul3A_3 : i32
    %mul3A_5 = arith.constant 8 : i32
    %mul3A_6 = arith.muli %mul3A_5, %and3A_1 : i32
    %multiple_of3A = tpu.assume_multiple %mul3A_6, 8 : i32
    %dma_start3A = arith.constant 0 : i32
    %dma_start3A_7 = arith.constant 0 : i32
    %dma_start3A_8 = arith.constant 0 : i32
    %dma_start3A_9 = tpu.memref_slice %arg4[%dma_start3A, %dma_start3A_7, %dma_start3A_8] : memref<2x8x4224xf32, #tpu.memory_space<vmem>> -> memref<1x8x4224xf32, #tpu.memory_space<vmem>>
    %dma_start3A_10 = tpu.memref_squeeze %dma_start3A_9 : memref<1x8x4224xf32, #tpu.memory_space<vmem>> -> memref<8x4224xf32, #tpu.memory_space<vmem>>
    %dma_start3A_11 = arith.constant 0 : i32
    %dma_start3A_12 = tpu.memref_slice %arg2[%mul3A_4, %multiple_of3A, %dma_start3A_11] : memref<12x128x4224xf32, #tpu.memory_space<hbm>> -> memref<1x8x4224xf32, #tpu.memory_space<hbm>>
    %dma_start3A_13 = tpu.memref_squeeze %dma_start3A_12 : memref<1x8x4224xf32, #tpu.memory_space<hbm>> -> memref<8x4224xf32, #tpu.memory_space<hbm>>
    %dma_start3A_14 = arith.constant 0 : i32
    %dma_start3A_15 = arith.constant 0 : i32
    %dma_start3A_16 = tpu.memref_slice %arg4[%dma_start3A, %dma_start3A_14, %dma_start3A_15] : memref<2x8x4224xf32, #tpu.memory_space<vmem>> -> memref<1x8x4224xf32, #tpu.memory_space<vmem>>
    %dma_start3A_17 = tpu.memref_squeeze %dma_start3A_16 : memref<1x8x4224xf32, #tpu.memory_space<vmem>> -> memref<8x4224xf32, #tpu.memory_space<vmem>>
    %dma_start3A_18 = arith.constant 0 : i32
    %dma_start3A_19 = tpu.memref_slice %arg2[%mul3A_4, %multiple_of3A, %dma_start3A_18] : memref<12x128x4224xf32, #tpu.memory_space<hbm>> -> memref<1x8x4224xf32, #tpu.memory_space<hbm>>
    %dma_start3A_20 = tpu.memref_squeeze %dma_start3A_19 : memref<1x8x4224xf32, #tpu.memory_space<hbm>> -> memref<8x4224xf32, #tpu.memory_space<hbm>>
    tpu.enqueue_dma source(%dma_start3A_20 : memref<8x4224xf32, #tpu.memory_space<hbm>>) target(%dma_start3A_17 : memref<8x4224xf32, #tpu.memory_space<vmem>>) target_semaphore(%arg6 : memref<!tpu.dma_semaphore, #tpu.memory_space<semaphore_mem>>)
    %dma_wait3A = arith.constant 0 : i32
    %dma_wait3A_21 = arith.constant 0 : i32
    %dma_wait3A_22 = arith.constant 0 : i32
    %dma_wait3A_23 = tpu.memref_slice %arg4[%dma_wait3A, %dma_wait3A_21, %dma_wait3A_22] : memref<2x8x4224xf32, #tpu.memory_space<vmem>> -> memref<1x8x4224xf32, #tpu.memory_space<vmem>>
    %dma_wait3A_24 = tpu.memref_squeeze %dma_wait3A_23 : memref<1x8x4224xf32, #tpu.memory_space<vmem>> -> memref<8x4224xf32, #tpu.memory_space<vmem>>
    %dma_wait3A_25 = arith.constant 0 : i32
    %dma_wait3A_26 = tpu.memref_slice %arg2[%mul3A_4, %multiple_of3A, %dma_wait3A_25] : memref<12x128x4224xf32, #tpu.memory_space<hbm>> -> memref<1x8x4224xf32, #tpu.memory_space<hbm>>
    %dma_wait3A_27 = tpu.memref_squeeze %dma_wait3A_26 : memref<1x8x4224xf32, #tpu.memory_space<hbm>> -> memref<8x4224xf32, #tpu.memory_space<hbm>>
    %dma_wait3A_28 = arith.constant 0 : i32
    %dma_wait3A_29 = arith.constant 0 : i32
    %dma_wait3A_30 = tpu.memref_slice %arg4[%dma_wait3A, %dma_wait3A_28, %dma_wait3A_29] : memref<2x8x4224xf32, #tpu.memory_space<vmem>> -> memref<1x8x4224xf32, #tpu.memory_space<vmem>>
    %dma_wait3A_31 = tpu.memref_squeeze %dma_wait3A_30 : memref<1x8x4224xf32, #tpu.memory_space<vmem>> -> memref<8x4224xf32, #tpu.memory_space<vmem>>
    %dma_wait3A_32 = arith.constant 0 : i32
    %dma_wait3A_33 = tpu.memref_slice %arg2[%mul3A_4, %multiple_of3A, %dma_wait3A_32] : memref<12x128x4224xf32, #tpu.memory_space<hbm>> -> memref<1x8x4224xf32, #tpu.memory_space<hbm>>
    %dma_wait3A_34 = tpu.memref_squeeze %dma_wait3A_33 : memref<1x8x4224xf32, #tpu.memory_space<hbm>> -> memref<8x4224xf32, #tpu.memory_space<hbm>>
    tpu.wait_dma2 semaphore(%arg6 : memref<!tpu.dma_semaphore, #tpu.memory_space<semaphore_mem>>) src(%dma_wait3A_34 : memref<8x4224xf32, #tpu.memory_space<hbm>>) dst(%dma_wait3A_31 : memref<8x4224xf32, #tpu.memory_space<vmem>>)
    %add3A_35 = arith.constant 0 : i32
    %add3A_36 = arith.addi %mul3A_4, %add3A_35 : i32
    %add3A_37 = arith.constant 1 : i32
    %add3A_38 = arith.addi %add3A_36, %add3A_37 : i32
    %mul3A_39 = arith.constant 8 : i32
    %mul3A_40 = arith.muli %mul3A_39, %and3A_1 : i32
    %multiple_of3A_41 = tpu.assume_multiple %mul3A_40, 8 : i32
    %dma_start3A_42 = arith.constant 1 : i32
    %dma_start3A_43 = arith.constant 0 : i32
    %dma_start3A_44 = arith.constant 0 : i32
    %dma_start3A_45 = tpu.memref_slice %arg4[%dma_start3A_42, %dma_start3A_43, %dma_start3A_44] : memref<2x8x4224xf32, #tpu.memory_space<vmem>> -> memref<1x8x4224xf32, #tpu.memory_space<vmem>>
    %dma_start3A_46 = tpu.memref_squeeze %dma_start3A_45 : memref<1x8x4224xf32, #tpu.memory_space<vmem>> -> memref<8x4224xf32, #tpu.memory_space<vmem>>
    %dma_start3A_47 = arith.constant 0 : i32
    %dma_start3A_48 = tpu.memref_slice %arg2[%add3A_38, %multiple_of3A_41, %dma_start3A_47] : memref<12x128x4224xf32, #tpu.memory_space<hbm>> -> memref<1x8x4224xf32, #tpu.memory_space<hbm>>
    %dma_start3A_49 = tpu.memref_squeeze %dma_start3A_48 : memref<1x8x4224xf32, #tpu.memory_space<hbm>> -> memref<8x4224xf32, #tpu.memory_space<hbm>>
    %dma_start3A_50 = arith.constant 0 : i32
    %dma_start3A_51 = arith.constant 0 : i32
    %dma_start3A_52 = tpu.memref_slice %arg4[%dma_start3A_42, %dma_start3A_50, %dma_start3A_51] : memref<2x8x4224xf32, #tpu.memory_space<vmem>> -> memref<1x8x4224xf32, #tpu.memory_space<vmem>>
    %dma_start3A_53 = tpu.memref_squeeze %dma_start3A_52 : memref<1x8x4224xf32, #tpu.memory_space<vmem>> -> memref<8x4224xf32, #tpu.memory_space<vmem>>
    %dma_start3A_54 = arith.constant 0 : i32
    %dma_start3A_55 = tpu.memref_slice %arg2[%add3A_38, %multiple_of3A_41, %dma_start3A_54] : memref<12x128x4224xf32, #tpu.memory_space<hbm>> -> memref<1x8x4224xf32, #tpu.memory_space<hbm>>
    %dma_start3A_56 = tpu.memref_squeeze %dma_start3A_55 : memref<1x8x4224xf32, #tpu.memory_space<hbm>> -> memref<8x4224xf32, #tpu.memory_space<hbm>>
    tpu.enqueue_dma source(%dma_start3A_56 : memref<8x4224xf32, #tpu.memory_space<hbm>>) target(%dma_start3A_53 : memref<8x4224xf32, #tpu.memory_space<vmem>>) target_semaphore(%arg6 : memref<!tpu.dma_semaphore, #tpu.memory_space<semaphore_mem>>)
    %scan3A = arith.constant 0 : i32
    %scan3A_57 = arith.constant 0 : i32
    %scan3A_58 = arith.constant 16 : i32
    %scan3A_59 = arith.addi %scan3A_57, %scan3A_58 : i32
    %scan3A_60 = arith.constant 1 : i32
    scf.for %scan3A_473 = %scan3A_57 to %scan3A_59 step %scan3A_60  : i32 {
      %mul3A_474 = arith.constant 128 : i32
      %mul3A_475 = arith.muli %mul3A_474, %scan3A_473 : i32
      %mul3A_476 = arith.constant 8 : i32
      %mul3A_477 = arith.muli %mul3A_476, %and3A_1 : i32
      %add3A_478 = arith.addi %mul3A_475, %mul3A_477 : i32
      %multiple_of3A_479 = tpu.assume_multiple %add3A_478, 8 : i32
      %mul3A_480 = arith.constant 128 : i32
      %mul3A_481 = arith.muli %mul3A_480, %scan3A_473 : i32
      %sub3A = arith.constant 2048 : i32
      %sub3A_482 = arith.subi %sub3A, %mul3A_481 : i32
      %multiple_of3A_483 = tpu.assume_multiple %sub3A_482, 128 : i32
      %dma_start3A_484 = arith.constant 0 : i32
      %dma_start3A_485 = arith.constant 0 : i32
      %dma_start3A_486 = arith.constant 0 : i32
      %dma_start3A_487 = tpu.memref_slice %arg4[%dma_start3A_484, %dma_start3A_486, %multiple_of3A_483] : memref<2x8x4224xf32, #tpu.memory_space<vmem>> -> memref<1x8x2048xf32, #tpu.memory_space<vmem>>
      %dma_start3A_488 = tpu.memref_squeeze %dma_start3A_487 : memref<1x8x2048xf32, #tpu.memory_space<vmem>> -> memref<8x2048xf32, #tpu.memory_space<vmem>>
      %dma_start3A_489 = arith.constant 0 : i32
      %dma_start3A_490 = tpu.memref_slice %arg3[%dma_start3A_485, %add3A_36, %multiple_of3A_479, %dma_start3A_489] : memref<1x12x2048x2048xf32, #tpu.memory_space<hbm>> -> memref<1x1x8x2048xf32, #tpu.memory_space<hbm>>
      %dma_start3A_491 = tpu.memref_squeeze %dma_start3A_490 : memref<1x1x8x2048xf32, #tpu.memory_space<hbm>> -> memref<8x2048xf32, #tpu.memory_space<hbm>>
      %dma_start3A_492 = arith.constant 0 : i32
      %dma_start3A_493 = tpu.memref_slice %arg3[%dma_start3A_485, %add3A_36, %multiple_of3A_479, %dma_start3A_492] : memref<1x12x2048x2048xf32, #tpu.memory_space<hbm>> -> memref<1x1x8x2048xf32, #tpu.memory_space<hbm>>
      %dma_start3A_494 = tpu.memref_squeeze %dma_start3A_493 : memref<1x1x8x2048xf32, #tpu.memory_space<hbm>> -> memref<8x2048xf32, #tpu.memory_space<hbm>>
      %dma_start3A_495 = arith.constant 0 : i32
      %dma_start3A_496 = tpu.memref_slice %arg4[%dma_start3A_484, %dma_start3A_495, %multiple_of3A_483] : memref<2x8x4224xf32, #tpu.memory_space<vmem>> -> memref<1x8x2048xf32, #tpu.memory_space<vmem>>
      %dma_start3A_497 = tpu.memref_squeeze %dma_start3A_496 : memref<1x8x2048xf32, #tpu.memory_space<vmem>> -> memref<8x2048xf32, #tpu.memory_space<vmem>>
      tpu.enqueue_dma source(%dma_start3A_497 : memref<8x2048xf32, #tpu.memory_space<vmem>>) target(%dma_start3A_494 : memref<8x2048xf32, #tpu.memory_space<hbm>>) target_semaphore(%arg5 : memref<!tpu.dma_semaphore, #tpu.memory_space<semaphore_mem>>)
      %ge3A = arith.constant 2 : i32
      %ge3A_498 = arith.cmpi sge, %scan3A_473, %ge3A : i32
      %convert_element_type3A = arith.extui %ge3A_498 : i1 to i32
      %cond3A = arith.constant 0 : i32
      %cond3A_499 = arith.cmpi ne, %convert_element_type3A, %cond3A : i32
      scf.if %cond3A_499 {
        %dma_wait3A_500 = arith.constant 0 : i32
        %dma_wait3A_501 = arith.constant 0 : i32
        %dma_wait3A_502 = arith.constant 0 : i32
        %dma_wait3A_503 = arith.constant 0 : i32
        %dma_wait3A_504 = tpu.memref_slice %arg4[%dma_wait3A_501, %dma_wait3A_502, %dma_wait3A_503] : memref<2x8x4224xf32, #tpu.memory_space<vmem>> -> memref<1x8x2048xf32, #tpu.memory_space<vmem>>
        %dma_wait3A_505 = tpu.memref_squeeze %dma_wait3A_504 : memref<1x8x2048xf32, #tpu.memory_space<vmem>> -> memref<8x2048xf32, #tpu.memory_space<vmem>>
        %dma_wait3A_506 = arith.constant 0 : i32
        %dma_wait3A_507 = arith.constant 0 : i32
        %dma_wait3A_508 = tpu.memref_slice %arg2[%dma_wait3A_500, %dma_wait3A_506, %dma_wait3A_507] : memref<12x128x4224xf32, #tpu.memory_space<hbm>> -> memref<1x8x2048xf32, #tpu.memory_space<hbm>>
        %dma_wait3A_509 = tpu.memref_squeeze %dma_wait3A_508 : memref<1x8x2048xf32, #tpu.memory_space<hbm>> -> memref<8x2048xf32, #tpu.memory_space<hbm>>
        %dma_wait3A_510 = arith.constant 0 : i32
        %dma_wait3A_511 = arith.constant 0 : i32
        %dma_wait3A_512 = tpu.memref_slice %arg4[%dma_wait3A_501, %dma_wait3A_510, %dma_wait3A_511] : memref<2x8x4224xf32, #tpu.memory_space<vmem>> -> memref<1x8x2048xf32, #tpu.memory_space<vmem>>
        %dma_wait3A_513 = tpu.memref_squeeze %dma_wait3A_512 : memref<1x8x2048xf32, #tpu.memory_space<vmem>> -> memref<8x2048xf32, #tpu.memory_space<vmem>>
        %dma_wait3A_514 = arith.constant 0 : i32
        %dma_wait3A_515 = arith.constant 0 : i32
        %dma_wait3A_516 = tpu.memref_slice %arg2[%dma_wait3A_500, %dma_wait3A_514, %dma_wait3A_515] : memref<12x128x4224xf32, #tpu.memory_space<hbm>> -> memref<1x8x2048xf32, #tpu.memory_space<hbm>>
        %dma_wait3A_517 = tpu.memref_squeeze %dma_wait3A_516 : memref<1x8x2048xf32, #tpu.memory_space<hbm>> -> memref<8x2048xf32, #tpu.memory_space<hbm>>
        tpu.wait_dma2 semaphore(%arg5 : memref<!tpu.dma_semaphore, #tpu.memory_space<semaphore_mem>>) src(%dma_wait3A_517 : memref<8x2048xf32, #tpu.memory_space<hbm>>) dst(%dma_wait3A_513 : memref<8x2048xf32, #tpu.memory_space<vmem>>)
      } else {
      }
    }
    %scan3A_61 = arith.constant 16 : i32
    %dma_wait3A_62 = arith.constant 0 : i32
    %dma_wait3A_63 = arith.constant 0 : i32
    %dma_wait3A_64 = arith.constant 0 : i32
    %dma_wait3A_65 = arith.constant 0 : i32
    %dma_wait3A_66 = tpu.memref_slice %arg4[%dma_wait3A_63, %dma_wait3A_64, %dma_wait3A_65] : memref<2x8x4224xf32, #tpu.memory_space<vmem>> -> memref<1x8x2048xf32, #tpu.memory_space<vmem>>
    %dma_wait3A_67 = tpu.memref_squeeze %dma_wait3A_66 : memref<1x8x2048xf32, #tpu.memory_space<vmem>> -> memref<8x2048xf32, #tpu.memory_space<vmem>>
    %dma_wait3A_68 = arith.constant 0 : i32
    %dma_wait3A_69 = arith.constant 0 : i32
    %dma_wait3A_70 = tpu.memref_slice %arg2[%dma_wait3A_62, %dma_wait3A_68, %dma_wait3A_69] : memref<12x128x4224xf32, #tpu.memory_space<hbm>> -> memref<1x8x2048xf32, #tpu.memory_space<hbm>>
    %dma_wait3A_71 = tpu.memref_squeeze %dma_wait3A_70 : memref<1x8x2048xf32, #tpu.memory_space<hbm>> -> memref<8x2048xf32, #tpu.memory_space<hbm>>
    %dma_wait3A_72 = arith.constant 0 : i32
    %dma_wait3A_73 = arith.constant 0 : i32
    %dma_wait3A_74 = tpu.memref_slice %arg4[%dma_wait3A_63, %dma_wait3A_72, %dma_wait3A_73] : memref<2x8x4224xf32, #tpu.memory_space<vmem>> -> memref<1x8x2048xf32, #tpu.memory_space<vmem>>
    %dma_wait3A_75 = tpu.memref_squeeze %dma_wait3A_74 : memref<1x8x2048xf32, #tpu.memory_space<vmem>> -> memref<8x2048xf32, #tpu.memory_space<vmem>>
    %dma_wait3A_76 = arith.constant 0 : i32
    %dma_wait3A_77 = arith.constant 0 : i32
    %dma_wait3A_78 = tpu.memref_slice %arg2[%dma_wait3A_62, %dma_wait3A_76, %dma_wait3A_77] : memref<12x128x4224xf32, #tpu.memory_space<hbm>> -> memref<1x8x2048xf32, #tpu.memory_space<hbm>>
    %dma_wait3A_79 = tpu.memref_squeeze %dma_wait3A_78 : memref<1x8x2048xf32, #tpu.memory_space<hbm>> -> memref<8x2048xf32, #tpu.memory_space<hbm>>
    tpu.wait_dma2 semaphore(%arg5 : memref<!tpu.dma_semaphore, #tpu.memory_space<semaphore_mem>>) src(%dma_wait3A_79 : memref<8x2048xf32, #tpu.memory_space<hbm>>) dst(%dma_wait3A_75 : memref<8x2048xf32, #tpu.memory_space<vmem>>)
    %dma_wait3A_80 = arith.constant 0 : i32
    %dma_wait3A_81 = arith.constant 0 : i32
    %dma_wait3A_82 = arith.constant 0 : i32
    %dma_wait3A_83 = arith.constant 0 : i32
    %dma_wait3A_84 = tpu.memref_slice %arg4[%dma_wait3A_81, %dma_wait3A_82, %dma_wait3A_83] : memref<2x8x4224xf32, #tpu.memory_space<vmem>> -> memref<1x8x2048xf32, #tpu.memory_space<vmem>>
    %dma_wait3A_85 = tpu.memref_squeeze %dma_wait3A_84 : memref<1x8x2048xf32, #tpu.memory_space<vmem>> -> memref<8x2048xf32, #tpu.memory_space<vmem>>
    %dma_wait3A_86 = arith.constant 0 : i32
    %dma_wait3A_87 = arith.constant 0 : i32
    %dma_wait3A_88 = tpu.memref_slice %arg2[%dma_wait3A_80, %dma_wait3A_86, %dma_wait3A_87] : memref<12x128x4224xf32, #tpu.memory_space<hbm>> -> memref<1x8x2048xf32, #tpu.memory_space<hbm>>
    %dma_wait3A_89 = tpu.memref_squeeze %dma_wait3A_88 : memref<1x8x2048xf32, #tpu.memory_space<hbm>> -> memref<8x2048xf32, #tpu.memory_space<hbm>>
    %dma_wait3A_90 = arith.constant 0 : i32
    %dma_wait3A_91 = arith.constant 0 : i32
    %dma_wait3A_92 = tpu.memref_slice %arg4[%dma_wait3A_81, %dma_wait3A_90, %dma_wait3A_91] : memref<2x8x4224xf32, #tpu.memory_space<vmem>> -> memref<1x8x2048xf32, #tpu.memory_space<vmem>>
    %dma_wait3A_93 = tpu.memref_squeeze %dma_wait3A_92 : memref<1x8x2048xf32, #tpu.memory_space<vmem>> -> memref<8x2048xf32, #tpu.memory_space<vmem>>
    %dma_wait3A_94 = arith.constant 0 : i32
    %dma_wait3A_95 = arith.constant 0 : i32
    %dma_wait3A_96 = tpu.memref_slice %arg2[%dma_wait3A_80, %dma_wait3A_94, %dma_wait3A_95] : memref<12x128x4224xf32, #tpu.memory_space<hbm>> -> memref<1x8x2048xf32, #tpu.memory_space<hbm>>
    %dma_wait3A_97 = tpu.memref_squeeze %dma_wait3A_96 : memref<1x8x2048xf32, #tpu.memory_space<hbm>> -> memref<8x2048xf32, #tpu.memory_space<hbm>>
    tpu.wait_dma2 semaphore(%arg5 : memref<!tpu.dma_semaphore, #tpu.memory_space<semaphore_mem>>) src(%dma_wait3A_97 : memref<8x2048xf32, #tpu.memory_space<hbm>>) dst(%dma_wait3A_93 : memref<8x2048xf32, #tpu.memory_space<vmem>>)
    %dma_wait3A_98 = arith.constant 1 : i32
    %dma_wait3A_99 = arith.constant 0 : i32
    %dma_wait3A_100 = arith.constant 0 : i32
    %dma_wait3A_101 = tpu.memref_slice %arg4[%dma_wait3A_98, %dma_wait3A_99, %dma_wait3A_100] : memref<2x8x4224xf32, #tpu.memory_space<vmem>> -> memref<1x8x4224xf32, #tpu.memory_space<vmem>>
    %dma_wait3A_102 = tpu.memref_squeeze %dma_wait3A_101 : memref<1x8x4224xf32, #tpu.memory_space<vmem>> -> memref<8x4224xf32, #tpu.memory_space<vmem>>
    %dma_wait3A_103 = arith.constant 0 : i32
    %dma_wait3A_104 = tpu.memref_slice %arg2[%add3A_38, %multiple_of3A_41, %dma_wait3A_103] : memref<12x128x4224xf32, #tpu.memory_space<hbm>> -> memref<1x8x4224xf32, #tpu.memory_space<hbm>>
    %dma_wait3A_105 = tpu.memref_squeeze %dma_wait3A_104 : memref<1x8x4224xf32, #tpu.memory_space<hbm>> -> memref<8x4224xf32, #tpu.memory_space<hbm>>
    %dma_wait3A_106 = arith.constant 0 : i32
    %dma_wait3A_107 = arith.constant 0 : i32
    %dma_wait3A_108 = tpu.memref_slice %arg4[%dma_wait3A_98, %dma_wait3A_106, %dma_wait3A_107] : memref<2x8x4224xf32, #tpu.memory_space<vmem>> -> memref<1x8x4224xf32, #tpu.memory_space<vmem>>
    %dma_wait3A_109 = tpu.memref_squeeze %dma_wait3A_108 : memref<1x8x4224xf32, #tpu.memory_space<vmem>> -> memref<8x4224xf32, #tpu.memory_space<vmem>>
    %dma_wait3A_110 = arith.constant 0 : i32
    %dma_wait3A_111 = tpu.memref_slice %arg2[%add3A_38, %multiple_of3A_41, %dma_wait3A_110] : memref<12x128x4224xf32, #tpu.memory_space<hbm>> -> memref<1x8x4224xf32, #tpu.memory_space<hbm>>
    %dma_wait3A_112 = tpu.memref_squeeze %dma_wait3A_111 : memref<1x8x4224xf32, #tpu.memory_space<hbm>> -> memref<8x4224xf32, #tpu.memory_space<hbm>>
    tpu.wait_dma2 semaphore(%arg6 : memref<!tpu.dma_semaphore, #tpu.memory_space<semaphore_mem>>) src(%dma_wait3A_112 : memref<8x4224xf32, #tpu.memory_space<hbm>>) dst(%dma_wait3A_109 : memref<8x4224xf32, #tpu.memory_space<vmem>>)
    %add3A_113 = arith.constant 1 : i32
    %add3A_114 = arith.addi %mul3A_4, %add3A_113 : i32
    %add3A_115 = arith.constant 1 : i32
    %add3A_116 = arith.addi %add3A_114, %add3A_115 : i32
    %mul3A_117 = arith.constant 8 : i32
    %mul3A_118 = arith.muli %mul3A_117, %and3A_1 : i32
    %multiple_of3A_119 = tpu.assume_multiple %mul3A_118, 8 : i32
    %dma_start3A_120 = arith.constant 0 : i32
    %dma_start3A_121 = arith.constant 0 : i32
    %dma_start3A_122 = arith.constant 0 : i32
    %dma_start3A_123 = tpu.memref_slice %arg4[%dma_start3A_120, %dma_start3A_121, %dma_start3A_122] : memref<2x8x4224xf32, #tpu.memory_space<vmem>> -> memref<1x8x4224xf32, #tpu.memory_space<vmem>>
    %dma_start3A_124 = tpu.memref_squeeze %dma_start3A_123 : memref<1x8x4224xf32, #tpu.memory_space<vmem>> -> memref<8x4224xf32, #tpu.memory_space<vmem>>
    %dma_start3A_125 = arith.constant 0 : i32
    %dma_start3A_126 = tpu.memref_slice %arg2[%add3A_116, %multiple_of3A_119, %dma_start3A_125] : memref<12x128x4224xf32, #tpu.memory_space<hbm>> -> memref<1x8x4224xf32, #tpu.memory_space<hbm>>
    %dma_start3A_127 = tpu.memref_squeeze %dma_start3A_126 : memref<1x8x4224xf32, #tpu.memory_space<hbm>> -> memref<8x4224xf32, #tpu.memory_space<hbm>>
    %dma_start3A_128 = arith.constant 0 : i32
    %dma_start3A_129 = arith.constant 0 : i32
    %dma_start3A_130 = tpu.memref_slice %arg4[%dma_start3A_120, %dma_start3A_128, %dma_start3A_129] : memref<2x8x4224xf32, #tpu.memory_space<vmem>> -> memref<1x8x4224xf32, #tpu.memory_space<vmem>>
    %dma_start3A_131 = tpu.memref_squeeze %dma_start3A_130 : memref<1x8x4224xf32, #tpu.memory_space<vmem>> -> memref<8x4224xf32, #tpu.memory_space<vmem>>
    %dma_start3A_132 = arith.constant 0 : i32
    %dma_start3A_133 = tpu.memref_slice %arg2[%add3A_116, %multiple_of3A_119, %dma_start3A_132] : memref<12x128x4224xf32, #tpu.memory_space<hbm>> -> memref<1x8x4224xf32, #tpu.memory_space<hbm>>
    %dma_start3A_134 = tpu.memref_squeeze %dma_start3A_133 : memref<1x8x4224xf32, #tpu.memory_space<hbm>> -> memref<8x4224xf32, #tpu.memory_space<hbm>>
    tpu.enqueue_dma source(%dma_start3A_134 : memref<8x4224xf32, #tpu.memory_space<hbm>>) target(%dma_start3A_131 : memref<8x4224xf32, #tpu.memory_space<vmem>>) target_semaphore(%arg6 : memref<!tpu.dma_semaphore, #tpu.memory_space<semaphore_mem>>)
    %scan3A_135 = arith.constant 0 : i32
    %scan3A_136 = arith.constant 0 : i32
    %scan3A_137 = arith.constant 16 : i32
    %scan3A_138 = arith.addi %scan3A_136, %scan3A_137 : i32
    %scan3A_139 = arith.constant 1 : i32
    scf.for %scan3A_473 = %scan3A_136 to %scan3A_138 step %scan3A_139  : i32 {
      %mul3A_474 = arith.constant 128 : i32
      %mul3A_475 = arith.muli %mul3A_474, %scan3A_473 : i32
      %mul3A_476 = arith.constant 8 : i32
      %mul3A_477 = arith.muli %mul3A_476, %and3A_1 : i32
      %add3A_478 = arith.addi %mul3A_475, %mul3A_477 : i32
      %multiple_of3A_479 = tpu.assume_multiple %add3A_478, 8 : i32
      %mul3A_480 = arith.constant 128 : i32
      %mul3A_481 = arith.muli %mul3A_480, %scan3A_473 : i32
      %sub3A = arith.constant 2048 : i32
      %sub3A_482 = arith.subi %sub3A, %mul3A_481 : i32
      %multiple_of3A_483 = tpu.assume_multiple %sub3A_482, 128 : i32
      %dma_start3A_484 = arith.constant 1 : i32
      %dma_start3A_485 = arith.constant 0 : i32
      %dma_start3A_486 = arith.constant 0 : i32
      %dma_start3A_487 = tpu.memref_slice %arg4[%dma_start3A_484, %dma_start3A_486, %multiple_of3A_483] : memref<2x8x4224xf32, #tpu.memory_space<vmem>> -> memref<1x8x2048xf32, #tpu.memory_space<vmem>>
      %dma_start3A_488 = tpu.memref_squeeze %dma_start3A_487 : memref<1x8x2048xf32, #tpu.memory_space<vmem>> -> memref<8x2048xf32, #tpu.memory_space<vmem>>
      %dma_start3A_489 = arith.constant 0 : i32
      %dma_start3A_490 = tpu.memref_slice %arg3[%dma_start3A_485, %add3A_114, %multiple_of3A_479, %dma_start3A_489] : memref<1x12x2048x2048xf32, #tpu.memory_space<hbm>> -> memref<1x1x8x2048xf32, #tpu.memory_space<hbm>>
      %dma_start3A_491 = tpu.memref_squeeze %dma_start3A_490 : memref<1x1x8x2048xf32, #tpu.memory_space<hbm>> -> memref<8x2048xf32, #tpu.memory_space<hbm>>
      %dma_start3A_492 = arith.constant 0 : i32
      %dma_start3A_493 = tpu.memref_slice %arg3[%dma_start3A_485, %add3A_114, %multiple_of3A_479, %dma_start3A_492] : memref<1x12x2048x2048xf32, #tpu.memory_space<hbm>> -> memref<1x1x8x2048xf32, #tpu.memory_space<hbm>>
      %dma_start3A_494 = tpu.memref_squeeze %dma_start3A_493 : memref<1x1x8x2048xf32, #tpu.memory_space<hbm>> -> memref<8x2048xf32, #tpu.memory_space<hbm>>
      %dma_start3A_495 = arith.constant 0 : i32
      %dma_start3A_496 = tpu.memref_slice %arg4[%dma_start3A_484, %dma_start3A_495, %multiple_of3A_483] : memref<2x8x4224xf32, #tpu.memory_space<vmem>> -> memref<1x8x2048xf32, #tpu.memory_space<vmem>>
      %dma_start3A_497 = tpu.memref_squeeze %dma_start3A_496 : memref<1x8x2048xf32, #tpu.memory_space<vmem>> -> memref<8x2048xf32, #tpu.memory_space<vmem>>
      tpu.enqueue_dma source(%dma_start3A_497 : memref<8x2048xf32, #tpu.memory_space<vmem>>) target(%dma_start3A_494 : memref<8x2048xf32, #tpu.memory_space<hbm>>) target_semaphore(%arg5 : memref<!tpu.dma_semaphore, #tpu.memory_space<semaphore_mem>>)
      %ge3A = arith.constant 2 : i32
      %ge3A_498 = arith.cmpi sge, %scan3A_473, %ge3A : i32
      %convert_element_type3A = arith.extui %ge3A_498 : i1 to i32
      %cond3A = arith.constant 0 : i32
      %cond3A_499 = arith.cmpi ne, %convert_element_type3A, %cond3A : i32
      scf.if %cond3A_499 {
        %dma_wait3A_500 = arith.constant 0 : i32
        %dma_wait3A_501 = arith.constant 0 : i32
        %dma_wait3A_502 = arith.constant 0 : i32
        %dma_wait3A_503 = arith.constant 0 : i32
        %dma_wait3A_504 = tpu.memref_slice %arg4[%dma_wait3A_501, %dma_wait3A_502, %dma_wait3A_503] : memref<2x8x4224xf32, #tpu.memory_space<vmem>> -> memref<1x8x2048xf32, #tpu.memory_space<vmem>>
        %dma_wait3A_505 = tpu.memref_squeeze %dma_wait3A_504 : memref<1x8x2048xf32, #tpu.memory_space<vmem>> -> memref<8x2048xf32, #tpu.memory_space<vmem>>
        %dma_wait3A_506 = arith.constant 0 : i32
        %dma_wait3A_507 = arith.constant 0 : i32
        %dma_wait3A_508 = tpu.memref_slice %arg2[%dma_wait3A_500, %dma_wait3A_506, %dma_wait3A_507] : memref<12x128x4224xf32, #tpu.memory_space<hbm>> -> memref<1x8x2048xf32, #tpu.memory_space<hbm>>
        %dma_wait3A_509 = tpu.memref_squeeze %dma_wait3A_508 : memref<1x8x2048xf32, #tpu.memory_space<hbm>> -> memref<8x2048xf32, #tpu.memory_space<hbm>>
        %dma_wait3A_510 = arith.constant 0 : i32
        %dma_wait3A_511 = arith.constant 0 : i32
        %dma_wait3A_512 = tpu.memref_slice %arg4[%dma_wait3A_501, %dma_wait3A_510, %dma_wait3A_511] : memref<2x8x4224xf32, #tpu.memory_space<vmem>> -> memref<1x8x2048xf32, #tpu.memory_space<vmem>>
        %dma_wait3A_513 = tpu.memref_squeeze %dma_wait3A_512 : memref<1x8x2048xf32, #tpu.memory_space<vmem>> -> memref<8x2048xf32, #tpu.memory_space<vmem>>
        %dma_wait3A_514 = arith.constant 0 : i32
        %dma_wait3A_515 = arith.constant 0 : i32
        %dma_wait3A_516 = tpu.memref_slice %arg2[%dma_wait3A_500, %dma_wait3A_514, %dma_wait3A_515] : memref<12x128x4224xf32, #tpu.memory_space<hbm>> -> memref<1x8x2048xf32, #tpu.memory_space<hbm>>
        %dma_wait3A_517 = tpu.memref_squeeze %dma_wait3A_516 : memref<1x8x2048xf32, #tpu.memory_space<hbm>> -> memref<8x2048xf32, #tpu.memory_space<hbm>>
        tpu.wait_dma2 semaphore(%arg5 : memref<!tpu.dma_semaphore, #tpu.memory_space<semaphore_mem>>) src(%dma_wait3A_517 : memref<8x2048xf32, #tpu.memory_space<hbm>>) dst(%dma_wait3A_513 : memref<8x2048xf32, #tpu.memory_space<vmem>>)
      } else {
      }
    }
    %scan3A_140 = arith.constant 16 : i32
    %dma_wait3A_141 = arith.constant 0 : i32
    %dma_wait3A_142 = arith.constant 0 : i32
    %dma_wait3A_143 = arith.constant 0 : i32
    %dma_wait3A_144 = arith.constant 0 : i32
    %dma_wait3A_145 = tpu.memref_slice %arg4[%dma_wait3A_142, %dma_wait3A_143, %dma_wait3A_144] : memref<2x8x4224xf32, #tpu.memory_space<vmem>> -> memref<1x8x2048xf32, #tpu.memory_space<vmem>>
    %dma_wait3A_146 = tpu.memref_squeeze %dma_wait3A_145 : memref<1x8x2048xf32, #tpu.memory_space<vmem>> -> memref<8x2048xf32, #tpu.memory_space<vmem>>
    %dma_wait3A_147 = arith.constant 0 : i32
    %dma_wait3A_148 = arith.constant 0 : i32
    %dma_wait3A_149 = tpu.memref_slice %arg2[%dma_wait3A_141, %dma_wait3A_147, %dma_wait3A_148] : memref<12x128x4224xf32, #tpu.memory_space<hbm>> -> memref<1x8x2048xf32, #tpu.memory_space<hbm>>
    %dma_wait3A_150 = tpu.memref_squeeze %dma_wait3A_149 : memref<1x8x2048xf32, #tpu.memory_space<hbm>> -> memref<8x2048xf32, #tpu.memory_space<hbm>>
    %dma_wait3A_151 = arith.constant 0 : i32
    %dma_wait3A_152 = arith.constant 0 : i32
    %dma_wait3A_153 = tpu.memref_slice %arg4[%dma_wait3A_142, %dma_wait3A_151, %dma_wait3A_152] : memref<2x8x4224xf32, #tpu.memory_space<vmem>> -> memref<1x8x2048xf32, #tpu.memory_space<vmem>>
    %dma_wait3A_154 = tpu.memref_squeeze %dma_wait3A_153 : memref<1x8x2048xf32, #tpu.memory_space<vmem>> -> memref<8x2048xf32, #tpu.memory_space<vmem>>
    %dma_wait3A_155 = arith.constant 0 : i32
    %dma_wait3A_156 = arith.constant 0 : i32
    %dma_wait3A_157 = tpu.memref_slice %arg2[%dma_wait3A_141, %dma_wait3A_155, %dma_wait3A_156] : memref<12x128x4224xf32, #tpu.memory_space<hbm>> -> memref<1x8x2048xf32, #tpu.memory_space<hbm>>
    %dma_wait3A_158 = tpu.memref_squeeze %dma_wait3A_157 : memref<1x8x2048xf32, #tpu.memory_space<hbm>> -> memref<8x2048xf32, #tpu.memory_space<hbm>>
    tpu.wait_dma2 semaphore(%arg5 : memref<!tpu.dma_semaphore, #tpu.memory_space<semaphore_mem>>) src(%dma_wait3A_158 : memref<8x2048xf32, #tpu.memory_space<hbm>>) dst(%dma_wait3A_154 : memref<8x2048xf32, #tpu.memory_space<vmem>>)
    %dma_wait3A_159 = arith.constant 0 : i32
    %dma_wait3A_160 = arith.constant 0 : i32
    %dma_wait3A_161 = arith.constant 0 : i32
    %dma_wait3A_162 = arith.constant 0 : i32
    %dma_wait3A_163 = tpu.memref_slice %arg4[%dma_wait3A_160, %dma_wait3A_161, %dma_wait3A_162] : memref<2x8x4224xf32, #tpu.memory_space<vmem>> -> memref<1x8x2048xf32, #tpu.memory_space<vmem>>
    %dma_wait3A_164 = tpu.memref_squeeze %dma_wait3A_163 : memref<1x8x2048xf32, #tpu.memory_space<vmem>> -> memref<8x2048xf32, #tpu.memory_space<vmem>>
    %dma_wait3A_165 = arith.constant 0 : i32
    %dma_wait3A_166 = arith.constant 0 : i32
    %dma_wait3A_167 = tpu.memref_slice %arg2[%dma_wait3A_159, %dma_wait3A_165, %dma_wait3A_166] : memref<12x128x4224xf32, #tpu.memory_space<hbm>> -> memref<1x8x2048xf32, #tpu.memory_space<hbm>>
    %dma_wait3A_168 = tpu.memref_squeeze %dma_wait3A_167 : memref<1x8x2048xf32, #tpu.memory_space<hbm>> -> memref<8x2048xf32, #tpu.memory_space<hbm>>
    %dma_wait3A_169 = arith.constant 0 : i32
    %dma_wait3A_170 = arith.constant 0 : i32
    %dma_wait3A_171 = tpu.memref_slice %arg4[%dma_wait3A_160, %dma_wait3A_169, %dma_wait3A_170] : memref<2x8x4224xf32, #tpu.memory_space<vmem>> -> memref<1x8x2048xf32, #tpu.memory_space<vmem>>
    %dma_wait3A_172 = tpu.memref_squeeze %dma_wait3A_171 : memref<1x8x2048xf32, #tpu.memory_space<vmem>> -> memref<8x2048xf32, #tpu.memory_space<vmem>>
    %dma_wait3A_173 = arith.constant 0 : i32
    %dma_wait3A_174 = arith.constant 0 : i32
    %dma_wait3A_175 = tpu.memref_slice %arg2[%dma_wait3A_159, %dma_wait3A_173, %dma_wait3A_174] : memref<12x128x4224xf32, #tpu.memory_space<hbm>> -> memref<1x8x2048xf32, #tpu.memory_space<hbm>>
    %dma_wait3A_176 = tpu.memref_squeeze %dma_wait3A_175 : memref<1x8x2048xf32, #tpu.memory_space<hbm>> -> memref<8x2048xf32, #tpu.memory_space<hbm>>
    tpu.wait_dma2 semaphore(%arg5 : memref<!tpu.dma_semaphore, #tpu.memory_space<semaphore_mem>>) src(%dma_wait3A_176 : memref<8x2048xf32, #tpu.memory_space<hbm>>) dst(%dma_wait3A_172 : memref<8x2048xf32, #tpu.memory_space<vmem>>)
    %dma_wait3A_177 = arith.constant 0 : i32
    %dma_wait3A_178 = arith.constant 0 : i32
    %dma_wait3A_179 = arith.constant 0 : i32
    %dma_wait3A_180 = tpu.memref_slice %arg4[%dma_wait3A_177, %dma_wait3A_178, %dma_wait3A_179] : memref<2x8x4224xf32, #tpu.memory_space<vmem>> -> memref<1x8x4224xf32, #tpu.memory_space<vmem>>
    %dma_wait3A_181 = tpu.memref_squeeze %dma_wait3A_180 : memref<1x8x4224xf32, #tpu.memory_space<vmem>> -> memref<8x4224xf32, #tpu.memory_space<vmem>>
    %dma_wait3A_182 = arith.constant 0 : i32
    %dma_wait3A_183 = tpu.memref_slice %arg2[%add3A_116, %multiple_of3A_119, %dma_wait3A_182] : memref<12x128x4224xf32, #tpu.memory_space<hbm>> -> memref<1x8x4224xf32, #tpu.memory_space<hbm>>
    %dma_wait3A_184 = tpu.memref_squeeze %dma_wait3A_183 : memref<1x8x4224xf32, #tpu.memory_space<hbm>> -> memref<8x4224xf32, #tpu.memory_space<hbm>>
    %dma_wait3A_185 = arith.constant 0 : i32
    %dma_wait3A_186 = arith.constant 0 : i32
    %dma_wait3A_187 = tpu.memref_slice %arg4[%dma_wait3A_177, %dma_wait3A_185, %dma_wait3A_186] : memref<2x8x4224xf32, #tpu.memory_space<vmem>> -> memref<1x8x4224xf32, #tpu.memory_space<vmem>>
    %dma_wait3A_188 = tpu.memref_squeeze %dma_wait3A_187 : memref<1x8x4224xf32, #tpu.memory_space<vmem>> -> memref<8x4224xf32, #tpu.memory_space<vmem>>
    %dma_wait3A_189 = arith.constant 0 : i32
    %dma_wait3A_190 = tpu.memref_slice %arg2[%add3A_116, %multiple_of3A_119, %dma_wait3A_189] : memref<12x128x4224xf32, #tpu.memory_space<hbm>> -> memref<1x8x4224xf32, #tpu.memory_space<hbm>>
    %dma_wait3A_191 = tpu.memref_squeeze %dma_wait3A_190 : memref<1x8x4224xf32, #tpu.memory_space<hbm>> -> memref<8x4224xf32, #tpu.memory_space<hbm>>
    tpu.wait_dma2 semaphore(%arg6 : memref<!tpu.dma_semaphore, #tpu.memory_space<semaphore_mem>>) src(%dma_wait3A_191 : memref<8x4224xf32, #tpu.memory_space<hbm>>) dst(%dma_wait3A_188 : memref<8x4224xf32, #tpu.memory_space<vmem>>)
    %add3A_192 = arith.constant 2 : i32
    %add3A_193 = arith.addi %mul3A_4, %add3A_192 : i32
    %add3A_194 = arith.constant 1 : i32
    %add3A_195 = arith.addi %add3A_193, %add3A_194 : i32
    %mul3A_196 = arith.constant 8 : i32
    %mul3A_197 = arith.muli %mul3A_196, %and3A_1 : i32
    %multiple_of3A_198 = tpu.assume_multiple %mul3A_197, 8 : i32
    %dma_start3A_199 = arith.constant 1 : i32
    %dma_start3A_200 = arith.constant 0 : i32
    %dma_start3A_201 = arith.constant 0 : i32
    %dma_start3A_202 = tpu.memref_slice %arg4[%dma_start3A_199, %dma_start3A_200, %dma_start3A_201] : memref<2x8x4224xf32, #tpu.memory_space<vmem>> -> memref<1x8x4224xf32, #tpu.memory_space<vmem>>
    %dma_start3A_203 = tpu.memref_squeeze %dma_start3A_202 : memref<1x8x4224xf32, #tpu.memory_space<vmem>> -> memref<8x4224xf32, #tpu.memory_space<vmem>>
    %dma_start3A_204 = arith.constant 0 : i32
    %dma_start3A_205 = tpu.memref_slice %arg2[%add3A_195, %multiple_of3A_198, %dma_start3A_204] : memref<12x128x4224xf32, #tpu.memory_space<hbm>> -> memref<1x8x4224xf32, #tpu.memory_space<hbm>>
    %dma_start3A_206 = tpu.memref_squeeze %dma_start3A_205 : memref<1x8x4224xf32, #tpu.memory_space<hbm>> -> memref<8x4224xf32, #tpu.memory_space<hbm>>
    %dma_start3A_207 = arith.constant 0 : i32
    %dma_start3A_208 = arith.constant 0 : i32
    %dma_start3A_209 = tpu.memref_slice %arg4[%dma_start3A_199, %dma_start3A_207, %dma_start3A_208] : memref<2x8x4224xf32, #tpu.memory_space<vmem>> -> memref<1x8x4224xf32, #tpu.memory_space<vmem>>
    %dma_start3A_210 = tpu.memref_squeeze %dma_start3A_209 : memref<1x8x4224xf32, #tpu.memory_space<vmem>> -> memref<8x4224xf32, #tpu.memory_space<vmem>>
    %dma_start3A_211 = arith.constant 0 : i32
    %dma_start3A_212 = tpu.memref_slice %arg2[%add3A_195, %multiple_of3A_198, %dma_start3A_211] : memref<12x128x4224xf32, #tpu.memory_space<hbm>> -> memref<1x8x4224xf32, #tpu.memory_space<hbm>>
    %dma_start3A_213 = tpu.memref_squeeze %dma_start3A_212 : memref<1x8x4224xf32, #tpu.memory_space<hbm>> -> memref<8x4224xf32, #tpu.memory_space<hbm>>
    tpu.enqueue_dma source(%dma_start3A_213 : memref<8x4224xf32, #tpu.memory_space<hbm>>) target(%dma_start3A_210 : memref<8x4224xf32, #tpu.memory_space<vmem>>) target_semaphore(%arg6 : memref<!tpu.dma_semaphore, #tpu.memory_space<semaphore_mem>>)
    %scan3A_214 = arith.constant 0 : i32
    %scan3A_215 = arith.constant 0 : i32
    %scan3A_216 = arith.constant 16 : i32
    %scan3A_217 = arith.addi %scan3A_215, %scan3A_216 : i32
    %scan3A_218 = arith.constant 1 : i32
    scf.for %scan3A_473 = %scan3A_215 to %scan3A_217 step %scan3A_218  : i32 {
      %mul3A_474 = arith.constant 128 : i32
      %mul3A_475 = arith.muli %mul3A_474, %scan3A_473 : i32
      %mul3A_476 = arith.constant 8 : i32
      %mul3A_477 = arith.muli %mul3A_476, %and3A_1 : i32
      %add3A_478 = arith.addi %mul3A_475, %mul3A_477 : i32
      %multiple_of3A_479 = tpu.assume_multiple %add3A_478, 8 : i32
      %mul3A_480 = arith.constant 128 : i32
      %mul3A_481 = arith.muli %mul3A_480, %scan3A_473 : i32
      %sub3A = arith.constant 2048 : i32
      %sub3A_482 = arith.subi %sub3A, %mul3A_481 : i32
      %multiple_of3A_483 = tpu.assume_multiple %sub3A_482, 128 : i32
      %dma_start3A_484 = arith.constant 0 : i32
      %dma_start3A_485 = arith.constant 0 : i32
      %dma_start3A_486 = arith.constant 0 : i32
      %dma_start3A_487 = tpu.memref_slice %arg4[%dma_start3A_484, %dma_start3A_486, %multiple_of3A_483] : memref<2x8x4224xf32, #tpu.memory_space<vmem>> -> memref<1x8x2048xf32, #tpu.memory_space<vmem>>
      %dma_start3A_488 = tpu.memref_squeeze %dma_start3A_487 : memref<1x8x2048xf32, #tpu.memory_space<vmem>> -> memref<8x2048xf32, #tpu.memory_space<vmem>>
      %dma_start3A_489 = arith.constant 0 : i32
      %dma_start3A_490 = tpu.memref_slice %arg3[%dma_start3A_485, %add3A_193, %multiple_of3A_479, %dma_start3A_489] : memref<1x12x2048x2048xf32, #tpu.memory_space<hbm>> -> memref<1x1x8x2048xf32, #tpu.memory_space<hbm>>
      %dma_start3A_491 = tpu.memref_squeeze %dma_start3A_490 : memref<1x1x8x2048xf32, #tpu.memory_space<hbm>> -> memref<8x2048xf32, #tpu.memory_space<hbm>>
      %dma_start3A_492 = arith.constant 0 : i32
      %dma_start3A_493 = tpu.memref_slice %arg3[%dma_start3A_485, %add3A_193, %multiple_of3A_479, %dma_start3A_492] : memref<1x12x2048x2048xf32, #tpu.memory_space<hbm>> -> memref<1x1x8x2048xf32, #tpu.memory_space<hbm>>
      %dma_start3A_494 = tpu.memref_squeeze %dma_start3A_493 : memref<1x1x8x2048xf32, #tpu.memory_space<hbm>> -> memref<8x2048xf32, #tpu.memory_space<hbm>>
      %dma_start3A_495 = arith.constant 0 : i32
      %dma_start3A_496 = tpu.memref_slice %arg4[%dma_start3A_484, %dma_start3A_495, %multiple_of3A_483] : memref<2x8x4224xf32, #tpu.memory_space<vmem>> -> memref<1x8x2048xf32, #tpu.memory_space<vmem>>
      %dma_start3A_497 = tpu.memref_squeeze %dma_start3A_496 : memref<1x8x2048xf32, #tpu.memory_space<vmem>> -> memref<8x2048xf32, #tpu.memory_space<vmem>>
      tpu.enqueue_dma source(%dma_start3A_497 : memref<8x2048xf32, #tpu.memory_space<vmem>>) target(%dma_start3A_494 : memref<8x2048xf32, #tpu.memory_space<hbm>>) target_semaphore(%arg5 : memref<!tpu.dma_semaphore, #tpu.memory_space<semaphore_mem>>)
      %ge3A = arith.constant 2 : i32
      %ge3A_498 = arith.cmpi sge, %scan3A_473, %ge3A : i32
      %convert_element_type3A = arith.extui %ge3A_498 : i1 to i32
      %cond3A = arith.constant 0 : i32
      %cond3A_499 = arith.cmpi ne, %convert_element_type3A, %cond3A : i32
      scf.if %cond3A_499 {
        %dma_wait3A_500 = arith.constant 0 : i32
        %dma_wait3A_501 = arith.constant 0 : i32
        %dma_wait3A_502 = arith.constant 0 : i32
        %dma_wait3A_503 = arith.constant 0 : i32
        %dma_wait3A_504 = tpu.memref_slice %arg4[%dma_wait3A_501, %dma_wait3A_502, %dma_wait3A_503] : memref<2x8x4224xf32, #tpu.memory_space<vmem>> -> memref<1x8x2048xf32, #tpu.memory_space<vmem>>
        %dma_wait3A_505 = tpu.memref_squeeze %dma_wait3A_504 : memref<1x8x2048xf32, #tpu.memory_space<vmem>> -> memref<8x2048xf32, #tpu.memory_space<vmem>>
        %dma_wait3A_506 = arith.constant 0 : i32
        %dma_wait3A_507 = arith.constant 0 : i32
        %dma_wait3A_508 = tpu.memref_slice %arg2[%dma_wait3A_500, %dma_wait3A_506, %dma_wait3A_507] : memref<12x128x4224xf32, #tpu.memory_space<hbm>> -> memref<1x8x2048xf32, #tpu.memory_space<hbm>>
        %dma_wait3A_509 = tpu.memref_squeeze %dma_wait3A_508 : memref<1x8x2048xf32, #tpu.memory_space<hbm>> -> memref<8x2048xf32, #tpu.memory_space<hbm>>
        %dma_wait3A_510 = arith.constant 0 : i32
        %dma_wait3A_511 = arith.constant 0 : i32
        %dma_wait3A_512 = tpu.memref_slice %arg4[%dma_wait3A_501, %dma_wait3A_510, %dma_wait3A_511] : memref<2x8x4224xf32, #tpu.memory_space<vmem>> -> memref<1x8x2048xf32, #tpu.memory_space<vmem>>
        %dma_wait3A_513 = tpu.memref_squeeze %dma_wait3A_512 : memref<1x8x2048xf32, #tpu.memory_space<vmem>> -> memref<8x2048xf32, #tpu.memory_space<vmem>>
        %dma_wait3A_514 = arith.constant 0 : i32
        %dma_wait3A_515 = arith.constant 0 : i32
        %dma_wait3A_516 = tpu.memref_slice %arg2[%dma_wait3A_500, %dma_wait3A_514, %dma_wait3A_515] : memref<12x128x4224xf32, #tpu.memory_space<hbm>> -> memref<1x8x2048xf32, #tpu.memory_space<hbm>>
        %dma_wait3A_517 = tpu.memref_squeeze %dma_wait3A_516 : memref<1x8x2048xf32, #tpu.memory_space<hbm>> -> memref<8x2048xf32, #tpu.memory_space<hbm>>
        tpu.wait_dma2 semaphore(%arg5 : memref<!tpu.dma_semaphore, #tpu.memory_space<semaphore_mem>>) src(%dma_wait3A_517 : memref<8x2048xf32, #tpu.memory_space<hbm>>) dst(%dma_wait3A_513 : memref<8x2048xf32, #tpu.memory_space<vmem>>)
      } else {
      }
    }
    %scan3A_219 = arith.constant 16 : i32
    %dma_wait3A_220 = arith.constant 0 : i32
    %dma_wait3A_221 = arith.constant 0 : i32
    %dma_wait3A_222 = arith.constant 0 : i32
    %dma_wait3A_223 = arith.constant 0 : i32
    %dma_wait3A_224 = tpu.memref_slice %arg4[%dma_wait3A_221, %dma_wait3A_222, %dma_wait3A_223] : memref<2x8x4224xf32, #tpu.memory_space<vmem>> -> memref<1x8x2048xf32, #tpu.memory_space<vmem>>
    %dma_wait3A_225 = tpu.memref_squeeze %dma_wait3A_224 : memref<1x8x2048xf32, #tpu.memory_space<vmem>> -> memref<8x2048xf32, #tpu.memory_space<vmem>>
    %dma_wait3A_226 = arith.constant 0 : i32
    %dma_wait3A_227 = arith.constant 0 : i32
    %dma_wait3A_228 = tpu.memref_slice %arg2[%dma_wait3A_220, %dma_wait3A_226, %dma_wait3A_227] : memref<12x128x4224xf32, #tpu.memory_space<hbm>> -> memref<1x8x2048xf32, #tpu.memory_space<hbm>>
    %dma_wait3A_229 = tpu.memref_squeeze %dma_wait3A_228 : memref<1x8x2048xf32, #tpu.memory_space<hbm>> -> memref<8x2048xf32, #tpu.memory_space<hbm>>
    %dma_wait3A_230 = arith.constant 0 : i32
    %dma_wait3A_231 = arith.constant 0 : i32
    %dma_wait3A_232 = tpu.memref_slice %arg4[%dma_wait3A_221, %dma_wait3A_230, %dma_wait3A_231] : memref<2x8x4224xf32, #tpu.memory_space<vmem>> -> memref<1x8x2048xf32, #tpu.memory_space<vmem>>
    %dma_wait3A_233 = tpu.memref_squeeze %dma_wait3A_232 : memref<1x8x2048xf32, #tpu.memory_space<vmem>> -> memref<8x2048xf32, #tpu.memory_space<vmem>>
    %dma_wait3A_234 = arith.constant 0 : i32
    %dma_wait3A_235 = arith.constant 0 : i32
    %dma_wait3A_236 = tpu.memref_slice %arg2[%dma_wait3A_220, %dma_wait3A_234, %dma_wait3A_235] : memref<12x128x4224xf32, #tpu.memory_space<hbm>> -> memref<1x8x2048xf32, #tpu.memory_space<hbm>>
    %dma_wait3A_237 = tpu.memref_squeeze %dma_wait3A_236 : memref<1x8x2048xf32, #tpu.memory_space<hbm>> -> memref<8x2048xf32, #tpu.memory_space<hbm>>
    tpu.wait_dma2 semaphore(%arg5 : memref<!tpu.dma_semaphore, #tpu.memory_space<semaphore_mem>>) src(%dma_wait3A_237 : memref<8x2048xf32, #tpu.memory_space<hbm>>) dst(%dma_wait3A_233 : memref<8x2048xf32, #tpu.memory_space<vmem>>)
    %dma_wait3A_238 = arith.constant 0 : i32
    %dma_wait3A_239 = arith.constant 0 : i32
    %dma_wait3A_240 = arith.constant 0 : i32
    %dma_wait3A_241 = arith.constant 0 : i32
    %dma_wait3A_242 = tpu.memref_slice %arg4[%dma_wait3A_239, %dma_wait3A_240, %dma_wait3A_241] : memref<2x8x4224xf32, #tpu.memory_space<vmem>> -> memref<1x8x2048xf32, #tpu.memory_space<vmem>>
    %dma_wait3A_243 = tpu.memref_squeeze %dma_wait3A_242 : memref<1x8x2048xf32, #tpu.memory_space<vmem>> -> memref<8x2048xf32, #tpu.memory_space<vmem>>
    %dma_wait3A_244 = arith.constant 0 : i32
    %dma_wait3A_245 = arith.constant 0 : i32
    %dma_wait3A_246 = tpu.memref_slice %arg2[%dma_wait3A_238, %dma_wait3A_244, %dma_wait3A_245] : memref<12x128x4224xf32, #tpu.memory_space<hbm>> -> memref<1x8x2048xf32, #tpu.memory_space<hbm>>
    %dma_wait3A_247 = tpu.memref_squeeze %dma_wait3A_246 : memref<1x8x2048xf32, #tpu.memory_space<hbm>> -> memref<8x2048xf32, #tpu.memory_space<hbm>>
    %dma_wait3A_248 = arith.constant 0 : i32
    %dma_wait3A_249 = arith.constant 0 : i32
    %dma_wait3A_250 = tpu.memref_slice %arg4[%dma_wait3A_239, %dma_wait3A_248, %dma_wait3A_249] : memref<2x8x4224xf32, #tpu.memory_space<vmem>> -> memref<1x8x2048xf32, #tpu.memory_space<vmem>>
    %dma_wait3A_251 = tpu.memref_squeeze %dma_wait3A_250 : memref<1x8x2048xf32, #tpu.memory_space<vmem>> -> memref<8x2048xf32, #tpu.memory_space<vmem>>
    %dma_wait3A_252 = arith.constant 0 : i32
    %dma_wait3A_253 = arith.constant 0 : i32
    %dma_wait3A_254 = tpu.memref_slice %arg2[%dma_wait3A_238, %dma_wait3A_252, %dma_wait3A_253] : memref<12x128x4224xf32, #tpu.memory_space<hbm>> -> memref<1x8x2048xf32, #tpu.memory_space<hbm>>
    %dma_wait3A_255 = tpu.memref_squeeze %dma_wait3A_254 : memref<1x8x2048xf32, #tpu.memory_space<hbm>> -> memref<8x2048xf32, #tpu.memory_space<hbm>>
    tpu.wait_dma2 semaphore(%arg5 : memref<!tpu.dma_semaphore, #tpu.memory_space<semaphore_mem>>) src(%dma_wait3A_255 : memref<8x2048xf32, #tpu.memory_space<hbm>>) dst(%dma_wait3A_251 : memref<8x2048xf32, #tpu.memory_space<vmem>>)
    %dma_wait3A_256 = arith.constant 1 : i32
    %dma_wait3A_257 = arith.constant 0 : i32
    %dma_wait3A_258 = arith.constant 0 : i32
    %dma_wait3A_259 = tpu.memref_slice %arg4[%dma_wait3A_256, %dma_wait3A_257, %dma_wait3A_258] : memref<2x8x4224xf32, #tpu.memory_space<vmem>> -> memref<1x8x4224xf32, #tpu.memory_space<vmem>>
    %dma_wait3A_260 = tpu.memref_squeeze %dma_wait3A_259 : memref<1x8x4224xf32, #tpu.memory_space<vmem>> -> memref<8x4224xf32, #tpu.memory_space<vmem>>
    %dma_wait3A_261 = arith.constant 0 : i32
    %dma_wait3A_262 = tpu.memref_slice %arg2[%add3A_195, %multiple_of3A_198, %dma_wait3A_261] : memref<12x128x4224xf32, #tpu.memory_space<hbm>> -> memref<1x8x4224xf32, #tpu.memory_space<hbm>>
    %dma_wait3A_263 = tpu.memref_squeeze %dma_wait3A_262 : memref<1x8x4224xf32, #tpu.memory_space<hbm>> -> memref<8x4224xf32, #tpu.memory_space<hbm>>
    %dma_wait3A_264 = arith.constant 0 : i32
    %dma_wait3A_265 = arith.constant 0 : i32
    %dma_wait3A_266 = tpu.memref_slice %arg4[%dma_wait3A_256, %dma_wait3A_264, %dma_wait3A_265] : memref<2x8x4224xf32, #tpu.memory_space<vmem>> -> memref<1x8x4224xf32, #tpu.memory_space<vmem>>
    %dma_wait3A_267 = tpu.memref_squeeze %dma_wait3A_266 : memref<1x8x4224xf32, #tpu.memory_space<vmem>> -> memref<8x4224xf32, #tpu.memory_space<vmem>>
    %dma_wait3A_268 = arith.constant 0 : i32
    %dma_wait3A_269 = tpu.memref_slice %arg2[%add3A_195, %multiple_of3A_198, %dma_wait3A_268] : memref<12x128x4224xf32, #tpu.memory_space<hbm>> -> memref<1x8x4224xf32, #tpu.memory_space<hbm>>
    %dma_wait3A_270 = tpu.memref_squeeze %dma_wait3A_269 : memref<1x8x4224xf32, #tpu.memory_space<hbm>> -> memref<8x4224xf32, #tpu.memory_space<hbm>>
    tpu.wait_dma2 semaphore(%arg6 : memref<!tpu.dma_semaphore, #tpu.memory_space<semaphore_mem>>) src(%dma_wait3A_270 : memref<8x4224xf32, #tpu.memory_space<hbm>>) dst(%dma_wait3A_267 : memref<8x4224xf32, #tpu.memory_space<vmem>>)
    %add3A_271 = arith.constant 3 : i32
    %add3A_272 = arith.addi %mul3A_4, %add3A_271 : i32
    %add3A_273 = arith.constant 1 : i32
    %add3A_274 = arith.addi %add3A_272, %add3A_273 : i32
    %mul3A_275 = arith.constant 8 : i32
    %mul3A_276 = arith.muli %mul3A_275, %and3A_1 : i32
    %multiple_of3A_277 = tpu.assume_multiple %mul3A_276, 8 : i32
    %dma_start3A_278 = arith.constant 0 : i32
    %dma_start3A_279 = arith.constant 0 : i32
    %dma_start3A_280 = arith.constant 0 : i32
    %dma_start3A_281 = tpu.memref_slice %arg4[%dma_start3A_278, %dma_start3A_279, %dma_start3A_280] : memref<2x8x4224xf32, #tpu.memory_space<vmem>> -> memref<1x8x4224xf32, #tpu.memory_space<vmem>>
    %dma_start3A_282 = tpu.memref_squeeze %dma_start3A_281 : memref<1x8x4224xf32, #tpu.memory_space<vmem>> -> memref<8x4224xf32, #tpu.memory_space<vmem>>
    %dma_start3A_283 = arith.constant 0 : i32
    %dma_start3A_284 = tpu.memref_slice %arg2[%add3A_274, %multiple_of3A_277, %dma_start3A_283] : memref<12x128x4224xf32, #tpu.memory_space<hbm>> -> memref<1x8x4224xf32, #tpu.memory_space<hbm>>
    %dma_start3A_285 = tpu.memref_squeeze %dma_start3A_284 : memref<1x8x4224xf32, #tpu.memory_space<hbm>> -> memref<8x4224xf32, #tpu.memory_space<hbm>>
    %dma_start3A_286 = arith.constant 0 : i32
    %dma_start3A_287 = arith.constant 0 : i32
    %dma_start3A_288 = tpu.memref_slice %arg4[%dma_start3A_278, %dma_start3A_286, %dma_start3A_287] : memref<2x8x4224xf32, #tpu.memory_space<vmem>> -> memref<1x8x4224xf32, #tpu.memory_space<vmem>>
    %dma_start3A_289 = tpu.memref_squeeze %dma_start3A_288 : memref<1x8x4224xf32, #tpu.memory_space<vmem>> -> memref<8x4224xf32, #tpu.memory_space<vmem>>
    %dma_start3A_290 = arith.constant 0 : i32
    %dma_start3A_291 = tpu.memref_slice %arg2[%add3A_274, %multiple_of3A_277, %dma_start3A_290] : memref<12x128x4224xf32, #tpu.memory_space<hbm>> -> memref<1x8x4224xf32, #tpu.memory_space<hbm>>
    %dma_start3A_292 = tpu.memref_squeeze %dma_start3A_291 : memref<1x8x4224xf32, #tpu.memory_space<hbm>> -> memref<8x4224xf32, #tpu.memory_space<hbm>>
    tpu.enqueue_dma source(%dma_start3A_292 : memref<8x4224xf32, #tpu.memory_space<hbm>>) target(%dma_start3A_289 : memref<8x4224xf32, #tpu.memory_space<vmem>>) target_semaphore(%arg6 : memref<!tpu.dma_semaphore, #tpu.memory_space<semaphore_mem>>)
    %scan3A_293 = arith.constant 0 : i32
    %scan3A_294 = arith.constant 0 : i32
    %scan3A_295 = arith.constant 16 : i32
    %scan3A_296 = arith.addi %scan3A_294, %scan3A_295 : i32
    %scan3A_297 = arith.constant 1 : i32
    scf.for %scan3A_473 = %scan3A_294 to %scan3A_296 step %scan3A_297  : i32 {
      %mul3A_474 = arith.constant 128 : i32
      %mul3A_475 = arith.muli %mul3A_474, %scan3A_473 : i32
      %mul3A_476 = arith.constant 8 : i32
      %mul3A_477 = arith.muli %mul3A_476, %and3A_1 : i32
      %add3A_478 = arith.addi %mul3A_475, %mul3A_477 : i32
      %multiple_of3A_479 = tpu.assume_multiple %add3A_478, 8 : i32
      %mul3A_480 = arith.constant 128 : i32
      %mul3A_481 = arith.muli %mul3A_480, %scan3A_473 : i32
      %sub3A = arith.constant 2048 : i32
      %sub3A_482 = arith.subi %sub3A, %mul3A_481 : i32
      %multiple_of3A_483 = tpu.assume_multiple %sub3A_482, 128 : i32
      %dma_start3A_484 = arith.constant 1 : i32
      %dma_start3A_485 = arith.constant 0 : i32
      %dma_start3A_486 = arith.constant 0 : i32
      %dma_start3A_487 = tpu.memref_slice %arg4[%dma_start3A_484, %dma_start3A_486, %multiple_of3A_483] : memref<2x8x4224xf32, #tpu.memory_space<vmem>> -> memref<1x8x2048xf32, #tpu.memory_space<vmem>>
      %dma_start3A_488 = tpu.memref_squeeze %dma_start3A_487 : memref<1x8x2048xf32, #tpu.memory_space<vmem>> -> memref<8x2048xf32, #tpu.memory_space<vmem>>
      %dma_start3A_489 = arith.constant 0 : i32
      %dma_start3A_490 = tpu.memref_slice %arg3[%dma_start3A_485, %add3A_272, %multiple_of3A_479, %dma_start3A_489] : memref<1x12x2048x2048xf32, #tpu.memory_space<hbm>> -> memref<1x1x8x2048xf32, #tpu.memory_space<hbm>>
      %dma_start3A_491 = tpu.memref_squeeze %dma_start3A_490 : memref<1x1x8x2048xf32, #tpu.memory_space<hbm>> -> memref<8x2048xf32, #tpu.memory_space<hbm>>
      %dma_start3A_492 = arith.constant 0 : i32
      %dma_start3A_493 = tpu.memref_slice %arg3[%dma_start3A_485, %add3A_272, %multiple_of3A_479, %dma_start3A_492] : memref<1x12x2048x2048xf32, #tpu.memory_space<hbm>> -> memref<1x1x8x2048xf32, #tpu.memory_space<hbm>>
      %dma_start3A_494 = tpu.memref_squeeze %dma_start3A_493 : memref<1x1x8x2048xf32, #tpu.memory_space<hbm>> -> memref<8x2048xf32, #tpu.memory_space<hbm>>
      %dma_start3A_495 = arith.constant 0 : i32
      %dma_start3A_496 = tpu.memref_slice %arg4[%dma_start3A_484, %dma_start3A_495, %multiple_of3A_483] : memref<2x8x4224xf32, #tpu.memory_space<vmem>> -> memref<1x8x2048xf32, #tpu.memory_space<vmem>>
      %dma_start3A_497 = tpu.memref_squeeze %dma_start3A_496 : memref<1x8x2048xf32, #tpu.memory_space<vmem>> -> memref<8x2048xf32, #tpu.memory_space<vmem>>
      tpu.enqueue_dma source(%dma_start3A_497 : memref<8x2048xf32, #tpu.memory_space<vmem>>) target(%dma_start3A_494 : memref<8x2048xf32, #tpu.memory_space<hbm>>) target_semaphore(%arg5 : memref<!tpu.dma_semaphore, #tpu.memory_space<semaphore_mem>>)
      %ge3A = arith.constant 2 : i32
      %ge3A_498 = arith.cmpi sge, %scan3A_473, %ge3A : i32
      %convert_element_type3A = arith.extui %ge3A_498 : i1 to i32
      %cond3A = arith.constant 0 : i32
      %cond3A_499 = arith.cmpi ne, %convert_element_type3A, %cond3A : i32
      scf.if %cond3A_499 {
        %dma_wait3A_500 = arith.constant 0 : i32
        %dma_wait3A_501 = arith.constant 0 : i32
        %dma_wait3A_502 = arith.constant 0 : i32
        %dma_wait3A_503 = arith.constant 0 : i32
        %dma_wait3A_504 = tpu.memref_slice %arg4[%dma_wait3A_501, %dma_wait3A_502, %dma_wait3A_503] : memref<2x8x4224xf32, #tpu.memory_space<vmem>> -> memref<1x8x2048xf32, #tpu.memory_space<vmem>>
        %dma_wait3A_505 = tpu.memref_squeeze %dma_wait3A_504 : memref<1x8x2048xf32, #tpu.memory_space<vmem>> -> memref<8x2048xf32, #tpu.memory_space<vmem>>
        %dma_wait3A_506 = arith.constant 0 : i32
        %dma_wait3A_507 = arith.constant 0 : i32
        %dma_wait3A_508 = tpu.memref_slice %arg2[%dma_wait3A_500, %dma_wait3A_506, %dma_wait3A_507] : memref<12x128x4224xf32, #tpu.memory_space<hbm>> -> memref<1x8x2048xf32, #tpu.memory_space<hbm>>
        %dma_wait3A_509 = tpu.memref_squeeze %dma_wait3A_508 : memref<1x8x2048xf32, #tpu.memory_space<hbm>> -> memref<8x2048xf32, #tpu.memory_space<hbm>>
        %dma_wait3A_510 = arith.constant 0 : i32
        %dma_wait3A_511 = arith.constant 0 : i32
        %dma_wait3A_512 = tpu.memref_slice %arg4[%dma_wait3A_501, %dma_wait3A_510, %dma_wait3A_511] : memref<2x8x4224xf32, #tpu.memory_space<vmem>> -> memref<1x8x2048xf32, #tpu.memory_space<vmem>>
        %dma_wait3A_513 = tpu.memref_squeeze %dma_wait3A_512 : memref<1x8x2048xf32, #tpu.memory_space<vmem>> -> memref<8x2048xf32, #tpu.memory_space<vmem>>
        %dma_wait3A_514 = arith.constant 0 : i32
        %dma_wait3A_515 = arith.constant 0 : i32
        %dma_wait3A_516 = tpu.memref_slice %arg2[%dma_wait3A_500, %dma_wait3A_514, %dma_wait3A_515] : memref<12x128x4224xf32, #tpu.memory_space<hbm>> -> memref<1x8x2048xf32, #tpu.memory_space<hbm>>
        %dma_wait3A_517 = tpu.memref_squeeze %dma_wait3A_516 : memref<1x8x2048xf32, #tpu.memory_space<hbm>> -> memref<8x2048xf32, #tpu.memory_space<hbm>>
        tpu.wait_dma2 semaphore(%arg5 : memref<!tpu.dma_semaphore, #tpu.memory_space<semaphore_mem>>) src(%dma_wait3A_517 : memref<8x2048xf32, #tpu.memory_space<hbm>>) dst(%dma_wait3A_513 : memref<8x2048xf32, #tpu.memory_space<vmem>>)
      } else {
      }
    }
    %scan3A_298 = arith.constant 16 : i32
    %dma_wait3A_299 = arith.constant 0 : i32
    %dma_wait3A_300 = arith.constant 0 : i32
    %dma_wait3A_301 = arith.constant 0 : i32
    %dma_wait3A_302 = arith.constant 0 : i32
    %dma_wait3A_303 = tpu.memref_slice %arg4[%dma_wait3A_300, %dma_wait3A_301, %dma_wait3A_302] : memref<2x8x4224xf32, #tpu.memory_space<vmem>> -> memref<1x8x2048xf32, #tpu.memory_space<vmem>>
    %dma_wait3A_304 = tpu.memref_squeeze %dma_wait3A_303 : memref<1x8x2048xf32, #tpu.memory_space<vmem>> -> memref<8x2048xf32, #tpu.memory_space<vmem>>
    %dma_wait3A_305 = arith.constant 0 : i32
    %dma_wait3A_306 = arith.constant 0 : i32
    %dma_wait3A_307 = tpu.memref_slice %arg2[%dma_wait3A_299, %dma_wait3A_305, %dma_wait3A_306] : memref<12x128x4224xf32, #tpu.memory_space<hbm>> -> memref<1x8x2048xf32, #tpu.memory_space<hbm>>
    %dma_wait3A_308 = tpu.memref_squeeze %dma_wait3A_307 : memref<1x8x2048xf32, #tpu.memory_space<hbm>> -> memref<8x2048xf32, #tpu.memory_space<hbm>>
    %dma_wait3A_309 = arith.constant 0 : i32
    %dma_wait3A_310 = arith.constant 0 : i32
    %dma_wait3A_311 = tpu.memref_slice %arg4[%dma_wait3A_300, %dma_wait3A_309, %dma_wait3A_310] : memref<2x8x4224xf32, #tpu.memory_space<vmem>> -> memref<1x8x2048xf32, #tpu.memory_space<vmem>>
    %dma_wait3A_312 = tpu.memref_squeeze %dma_wait3A_311 : memref<1x8x2048xf32, #tpu.memory_space<vmem>> -> memref<8x2048xf32, #tpu.memory_space<vmem>>
    %dma_wait3A_313 = arith.constant 0 : i32
    %dma_wait3A_314 = arith.constant 0 : i32
    %dma_wait3A_315 = tpu.memref_slice %arg2[%dma_wait3A_299, %dma_wait3A_313, %dma_wait3A_314] : memref<12x128x4224xf32, #tpu.memory_space<hbm>> -> memref<1x8x2048xf32, #tpu.memory_space<hbm>>
    %dma_wait3A_316 = tpu.memref_squeeze %dma_wait3A_315 : memref<1x8x2048xf32, #tpu.memory_space<hbm>> -> memref<8x2048xf32, #tpu.memory_space<hbm>>
    tpu.wait_dma2 semaphore(%arg5 : memref<!tpu.dma_semaphore, #tpu.memory_space<semaphore_mem>>) src(%dma_wait3A_316 : memref<8x2048xf32, #tpu.memory_space<hbm>>) dst(%dma_wait3A_312 : memref<8x2048xf32, #tpu.memory_space<vmem>>)
    %dma_wait3A_317 = arith.constant 0 : i32
    %dma_wait3A_318 = arith.constant 0 : i32
    %dma_wait3A_319 = arith.constant 0 : i32
    %dma_wait3A_320 = arith.constant 0 : i32
    %dma_wait3A_321 = tpu.memref_slice %arg4[%dma_wait3A_318, %dma_wait3A_319, %dma_wait3A_320] : memref<2x8x4224xf32, #tpu.memory_space<vmem>> -> memref<1x8x2048xf32, #tpu.memory_space<vmem>>
    %dma_wait3A_322 = tpu.memref_squeeze %dma_wait3A_321 : memref<1x8x2048xf32, #tpu.memory_space<vmem>> -> memref<8x2048xf32, #tpu.memory_space<vmem>>
    %dma_wait3A_323 = arith.constant 0 : i32
    %dma_wait3A_324 = arith.constant 0 : i32
    %dma_wait3A_325 = tpu.memref_slice %arg2[%dma_wait3A_317, %dma_wait3A_323, %dma_wait3A_324] : memref<12x128x4224xf32, #tpu.memory_space<hbm>> -> memref<1x8x2048xf32, #tpu.memory_space<hbm>>
    %dma_wait3A_326 = tpu.memref_squeeze %dma_wait3A_325 : memref<1x8x2048xf32, #tpu.memory_space<hbm>> -> memref<8x2048xf32, #tpu.memory_space<hbm>>
    %dma_wait3A_327 = arith.constant 0 : i32
    %dma_wait3A_328 = arith.constant 0 : i32
    %dma_wait3A_329 = tpu.memref_slice %arg4[%dma_wait3A_318, %dma_wait3A_327, %dma_wait3A_328] : memref<2x8x4224xf32, #tpu.memory_space<vmem>> -> memref<1x8x2048xf32, #tpu.memory_space<vmem>>
    %dma_wait3A_330 = tpu.memref_squeeze %dma_wait3A_329 : memref<1x8x2048xf32, #tpu.memory_space<vmem>> -> memref<8x2048xf32, #tpu.memory_space<vmem>>
    %dma_wait3A_331 = arith.constant 0 : i32
    %dma_wait3A_332 = arith.constant 0 : i32
    %dma_wait3A_333 = tpu.memref_slice %arg2[%dma_wait3A_317, %dma_wait3A_331, %dma_wait3A_332] : memref<12x128x4224xf32, #tpu.memory_space<hbm>> -> memref<1x8x2048xf32, #tpu.memory_space<hbm>>
    %dma_wait3A_334 = tpu.memref_squeeze %dma_wait3A_333 : memref<1x8x2048xf32, #tpu.memory_space<hbm>> -> memref<8x2048xf32, #tpu.memory_space<hbm>>
    tpu.wait_dma2 semaphore(%arg5 : memref<!tpu.dma_semaphore, #tpu.memory_space<semaphore_mem>>) src(%dma_wait3A_334 : memref<8x2048xf32, #tpu.memory_space<hbm>>) dst(%dma_wait3A_330 : memref<8x2048xf32, #tpu.memory_space<vmem>>)
    %dma_wait3A_335 = arith.constant 0 : i32
    %dma_wait3A_336 = arith.constant 0 : i32
    %dma_wait3A_337 = arith.constant 0 : i32
    %dma_wait3A_338 = tpu.memref_slice %arg4[%dma_wait3A_335, %dma_wait3A_336, %dma_wait3A_337] : memref<2x8x4224xf32, #tpu.memory_space<vmem>> -> memref<1x8x4224xf32, #tpu.memory_space<vmem>>
    %dma_wait3A_339 = tpu.memref_squeeze %dma_wait3A_338 : memref<1x8x4224xf32, #tpu.memory_space<vmem>> -> memref<8x4224xf32, #tpu.memory_space<vmem>>
    %dma_wait3A_340 = arith.constant 0 : i32
    %dma_wait3A_341 = tpu.memref_slice %arg2[%add3A_274, %multiple_of3A_277, %dma_wait3A_340] : memref<12x128x4224xf32, #tpu.memory_space<hbm>> -> memref<1x8x4224xf32, #tpu.memory_space<hbm>>
    %dma_wait3A_342 = tpu.memref_squeeze %dma_wait3A_341 : memref<1x8x4224xf32, #tpu.memory_space<hbm>> -> memref<8x4224xf32, #tpu.memory_space<hbm>>
    %dma_wait3A_343 = arith.constant 0 : i32
    %dma_wait3A_344 = arith.constant 0 : i32
    %dma_wait3A_345 = tpu.memref_slice %arg4[%dma_wait3A_335, %dma_wait3A_343, %dma_wait3A_344] : memref<2x8x4224xf32, #tpu.memory_space<vmem>> -> memref<1x8x4224xf32, #tpu.memory_space<vmem>>
    %dma_wait3A_346 = tpu.memref_squeeze %dma_wait3A_345 : memref<1x8x4224xf32, #tpu.memory_space<vmem>> -> memref<8x4224xf32, #tpu.memory_space<vmem>>
    %dma_wait3A_347 = arith.constant 0 : i32
    %dma_wait3A_348 = tpu.memref_slice %arg2[%add3A_274, %multiple_of3A_277, %dma_wait3A_347] : memref<12x128x4224xf32, #tpu.memory_space<hbm>> -> memref<1x8x4224xf32, #tpu.memory_space<hbm>>
    %dma_wait3A_349 = tpu.memref_squeeze %dma_wait3A_348 : memref<1x8x4224xf32, #tpu.memory_space<hbm>> -> memref<8x4224xf32, #tpu.memory_space<hbm>>
    tpu.wait_dma2 semaphore(%arg6 : memref<!tpu.dma_semaphore, #tpu.memory_space<semaphore_mem>>) src(%dma_wait3A_349 : memref<8x4224xf32, #tpu.memory_space<hbm>>) dst(%dma_wait3A_346 : memref<8x4224xf32, #tpu.memory_space<vmem>>)
    %add3A_350 = arith.constant 4 : i32
    %add3A_351 = arith.addi %mul3A_4, %add3A_350 : i32
    %add3A_352 = arith.constant 1 : i32
    %add3A_353 = arith.addi %add3A_351, %add3A_352 : i32
    %mul3A_354 = arith.constant 8 : i32
    %mul3A_355 = arith.muli %mul3A_354, %and3A_1 : i32
    %multiple_of3A_356 = tpu.assume_multiple %mul3A_355, 8 : i32
    %dma_start3A_357 = arith.constant 1 : i32
    %dma_start3A_358 = arith.constant 0 : i32
    %dma_start3A_359 = arith.constant 0 : i32
    %dma_start3A_360 = tpu.memref_slice %arg4[%dma_start3A_357, %dma_start3A_358, %dma_start3A_359] : memref<2x8x4224xf32, #tpu.memory_space<vmem>> -> memref<1x8x4224xf32, #tpu.memory_space<vmem>>
    %dma_start3A_361 = tpu.memref_squeeze %dma_start3A_360 : memref<1x8x4224xf32, #tpu.memory_space<vmem>> -> memref<8x4224xf32, #tpu.memory_space<vmem>>
    %dma_start3A_362 = arith.constant 0 : i32
    %dma_start3A_363 = tpu.memref_slice %arg2[%add3A_353, %multiple_of3A_356, %dma_start3A_362] : memref<12x128x4224xf32, #tpu.memory_space<hbm>> -> memref<1x8x4224xf32, #tpu.memory_space<hbm>>
    %dma_start3A_364 = tpu.memref_squeeze %dma_start3A_363 : memref<1x8x4224xf32, #tpu.memory_space<hbm>> -> memref<8x4224xf32, #tpu.memory_space<hbm>>
    %dma_start3A_365 = arith.constant 0 : i32
    %dma_start3A_366 = arith.constant 0 : i32
    %dma_start3A_367 = tpu.memref_slice %arg4[%dma_start3A_357, %dma_start3A_365, %dma_start3A_366] : memref<2x8x4224xf32, #tpu.memory_space<vmem>> -> memref<1x8x4224xf32, #tpu.memory_space<vmem>>
    %dma_start3A_368 = tpu.memref_squeeze %dma_start3A_367 : memref<1x8x4224xf32, #tpu.memory_space<vmem>> -> memref<8x4224xf32, #tpu.memory_space<vmem>>
    %dma_start3A_369 = arith.constant 0 : i32
    %dma_start3A_370 = tpu.memref_slice %arg2[%add3A_353, %multiple_of3A_356, %dma_start3A_369] : memref<12x128x4224xf32, #tpu.memory_space<hbm>> -> memref<1x8x4224xf32, #tpu.memory_space<hbm>>
    %dma_start3A_371 = tpu.memref_squeeze %dma_start3A_370 : memref<1x8x4224xf32, #tpu.memory_space<hbm>> -> memref<8x4224xf32, #tpu.memory_space<hbm>>
    tpu.enqueue_dma source(%dma_start3A_371 : memref<8x4224xf32, #tpu.memory_space<hbm>>) target(%dma_start3A_368 : memref<8x4224xf32, #tpu.memory_space<vmem>>) target_semaphore(%arg6 : memref<!tpu.dma_semaphore, #tpu.memory_space<semaphore_mem>>)
    %scan3A_372 = arith.constant 0 : i32
    %scan3A_373 = arith.constant 0 : i32
    %scan3A_374 = arith.constant 16 : i32
    %scan3A_375 = arith.addi %scan3A_373, %scan3A_374 : i32
    %scan3A_376 = arith.constant 1 : i32
    scf.for %scan3A_473 = %scan3A_373 to %scan3A_375 step %scan3A_376  : i32 {
      %mul3A_474 = arith.constant 128 : i32
      %mul3A_475 = arith.muli %mul3A_474, %scan3A_473 : i32
      %mul3A_476 = arith.constant 8 : i32
      %mul3A_477 = arith.muli %mul3A_476, %and3A_1 : i32
      %add3A_478 = arith.addi %mul3A_475, %mul3A_477 : i32
      %multiple_of3A_479 = tpu.assume_multiple %add3A_478, 8 : i32
      %mul3A_480 = arith.constant 128 : i32
      %mul3A_481 = arith.muli %mul3A_480, %scan3A_473 : i32
      %sub3A = arith.constant 2048 : i32
      %sub3A_482 = arith.subi %sub3A, %mul3A_481 : i32
      %multiple_of3A_483 = tpu.assume_multiple %sub3A_482, 128 : i32
      %dma_start3A_484 = arith.constant 0 : i32
      %dma_start3A_485 = arith.constant 0 : i32
      %dma_start3A_486 = arith.constant 0 : i32
      %dma_start3A_487 = tpu.memref_slice %arg4[%dma_start3A_484, %dma_start3A_486, %multiple_of3A_483] : memref<2x8x4224xf32, #tpu.memory_space<vmem>> -> memref<1x8x2048xf32, #tpu.memory_space<vmem>>
      %dma_start3A_488 = tpu.memref_squeeze %dma_start3A_487 : memref<1x8x2048xf32, #tpu.memory_space<vmem>> -> memref<8x2048xf32, #tpu.memory_space<vmem>>
      %dma_start3A_489 = arith.constant 0 : i32
      %dma_start3A_490 = tpu.memref_slice %arg3[%dma_start3A_485, %add3A_351, %multiple_of3A_479, %dma_start3A_489] : memref<1x12x2048x2048xf32, #tpu.memory_space<hbm>> -> memref<1x1x8x2048xf32, #tpu.memory_space<hbm>>
      %dma_start3A_491 = tpu.memref_squeeze %dma_start3A_490 : memref<1x1x8x2048xf32, #tpu.memory_space<hbm>> -> memref<8x2048xf32, #tpu.memory_space<hbm>>
      %dma_start3A_492 = arith.constant 0 : i32
      %dma_start3A_493 = tpu.memref_slice %arg3[%dma_start3A_485, %add3A_351, %multiple_of3A_479, %dma_start3A_492] : memref<1x12x2048x2048xf32, #tpu.memory_space<hbm>> -> memref<1x1x8x2048xf32, #tpu.memory_space<hbm>>
      %dma_start3A_494 = tpu.memref_squeeze %dma_start3A_493 : memref<1x1x8x2048xf32, #tpu.memory_space<hbm>> -> memref<8x2048xf32, #tpu.memory_space<hbm>>
      %dma_start3A_495 = arith.constant 0 : i32
      %dma_start3A_496 = tpu.memref_slice %arg4[%dma_start3A_484, %dma_start3A_495, %multiple_of3A_483] : memref<2x8x4224xf32, #tpu.memory_space<vmem>> -> memref<1x8x2048xf32, #tpu.memory_space<vmem>>
      %dma_start3A_497 = tpu.memref_squeeze %dma_start3A_496 : memref<1x8x2048xf32, #tpu.memory_space<vmem>> -> memref<8x2048xf32, #tpu.memory_space<vmem>>
      tpu.enqueue_dma source(%dma_start3A_497 : memref<8x2048xf32, #tpu.memory_space<vmem>>) target(%dma_start3A_494 : memref<8x2048xf32, #tpu.memory_space<hbm>>) target_semaphore(%arg5 : memref<!tpu.dma_semaphore, #tpu.memory_space<semaphore_mem>>)
      %ge3A = arith.constant 2 : i32
      %ge3A_498 = arith.cmpi sge, %scan3A_473, %ge3A : i32
      %convert_element_type3A = arith.extui %ge3A_498 : i1 to i32
      %cond3A = arith.constant 0 : i32
      %cond3A_499 = arith.cmpi ne, %convert_element_type3A, %cond3A : i32
      scf.if %cond3A_499 {
        %dma_wait3A_500 = arith.constant 0 : i32
        %dma_wait3A_501 = arith.constant 0 : i32
        %dma_wait3A_502 = arith.constant 0 : i32
        %dma_wait3A_503 = arith.constant 0 : i32
        %dma_wait3A_504 = tpu.memref_slice %arg4[%dma_wait3A_501, %dma_wait3A_502, %dma_wait3A_503] : memref<2x8x4224xf32, #tpu.memory_space<vmem>> -> memref<1x8x2048xf32, #tpu.memory_space<vmem>>
        %dma_wait3A_505 = tpu.memref_squeeze %dma_wait3A_504 : memref<1x8x2048xf32, #tpu.memory_space<vmem>> -> memref<8x2048xf32, #tpu.memory_space<vmem>>
        %dma_wait3A_506 = arith.constant 0 : i32
        %dma_wait3A_507 = arith.constant 0 : i32
        %dma_wait3A_508 = tpu.memref_slice %arg2[%dma_wait3A_500, %dma_wait3A_506, %dma_wait3A_507] : memref<12x128x4224xf32, #tpu.memory_space<hbm>> -> memref<1x8x2048xf32, #tpu.memory_space<hbm>>
        %dma_wait3A_509 = tpu.memref_squeeze %dma_wait3A_508 : memref<1x8x2048xf32, #tpu.memory_space<hbm>> -> memref<8x2048xf32, #tpu.memory_space<hbm>>
        %dma_wait3A_510 = arith.constant 0 : i32
        %dma_wait3A_511 = arith.constant 0 : i32
        %dma_wait3A_512 = tpu.memref_slice %arg4[%dma_wait3A_501, %dma_wait3A_510, %dma_wait3A_511] : memref<2x8x4224xf32, #tpu.memory_space<vmem>> -> memref<1x8x2048xf32, #tpu.memory_space<vmem>>
        %dma_wait3A_513 = tpu.memref_squeeze %dma_wait3A_512 : memref<1x8x2048xf32, #tpu.memory_space<vmem>> -> memref<8x2048xf32, #tpu.memory_space<vmem>>
        %dma_wait3A_514 = arith.constant 0 : i32
        %dma_wait3A_515 = arith.constant 0 : i32
        %dma_wait3A_516 = tpu.memref_slice %arg2[%dma_wait3A_500, %dma_wait3A_514, %dma_wait3A_515] : memref<12x128x4224xf32, #tpu.memory_space<hbm>> -> memref<1x8x2048xf32, #tpu.memory_space<hbm>>
        %dma_wait3A_517 = tpu.memref_squeeze %dma_wait3A_516 : memref<1x8x2048xf32, #tpu.memory_space<hbm>> -> memref<8x2048xf32, #tpu.memory_space<hbm>>
        tpu.wait_dma2 semaphore(%arg5 : memref<!tpu.dma_semaphore, #tpu.memory_space<semaphore_mem>>) src(%dma_wait3A_517 : memref<8x2048xf32, #tpu.memory_space<hbm>>) dst(%dma_wait3A_513 : memref<8x2048xf32, #tpu.memory_space<vmem>>)
      } else {
      }
    }
    %scan3A_377 = arith.constant 16 : i32
    %dma_wait3A_378 = arith.constant 0 : i32
    %dma_wait3A_379 = arith.constant 0 : i32
    %dma_wait3A_380 = arith.constant 0 : i32
    %dma_wait3A_381 = arith.constant 0 : i32
    %dma_wait3A_382 = tpu.memref_slice %arg4[%dma_wait3A_379, %dma_wait3A_380, %dma_wait3A_381] : memref<2x8x4224xf32, #tpu.memory_space<vmem>> -> memref<1x8x2048xf32, #tpu.memory_space<vmem>>
    %dma_wait3A_383 = tpu.memref_squeeze %dma_wait3A_382 : memref<1x8x2048xf32, #tpu.memory_space<vmem>> -> memref<8x2048xf32, #tpu.memory_space<vmem>>
    %dma_wait3A_384 = arith.constant 0 : i32
    %dma_wait3A_385 = arith.constant 0 : i32
    %dma_wait3A_386 = tpu.memref_slice %arg2[%dma_wait3A_378, %dma_wait3A_384, %dma_wait3A_385] : memref<12x128x4224xf32, #tpu.memory_space<hbm>> -> memref<1x8x2048xf32, #tpu.memory_space<hbm>>
    %dma_wait3A_387 = tpu.memref_squeeze %dma_wait3A_386 : memref<1x8x2048xf32, #tpu.memory_space<hbm>> -> memref<8x2048xf32, #tpu.memory_space<hbm>>
    %dma_wait3A_388 = arith.constant 0 : i32
    %dma_wait3A_389 = arith.constant 0 : i32
    %dma_wait3A_390 = tpu.memref_slice %arg4[%dma_wait3A_379, %dma_wait3A_388, %dma_wait3A_389] : memref<2x8x4224xf32, #tpu.memory_space<vmem>> -> memref<1x8x2048xf32, #tpu.memory_space<vmem>>
    %dma_wait3A_391 = tpu.memref_squeeze %dma_wait3A_390 : memref<1x8x2048xf32, #tpu.memory_space<vmem>> -> memref<8x2048xf32, #tpu.memory_space<vmem>>
    %dma_wait3A_392 = arith.constant 0 : i32
    %dma_wait3A_393 = arith.constant 0 : i32
    %dma_wait3A_394 = tpu.memref_slice %arg2[%dma_wait3A_378, %dma_wait3A_392, %dma_wait3A_393] : memref<12x128x4224xf32, #tpu.memory_space<hbm>> -> memref<1x8x2048xf32, #tpu.memory_space<hbm>>
    %dma_wait3A_395 = tpu.memref_squeeze %dma_wait3A_394 : memref<1x8x2048xf32, #tpu.memory_space<hbm>> -> memref<8x2048xf32, #tpu.memory_space<hbm>>
    tpu.wait_dma2 semaphore(%arg5 : memref<!tpu.dma_semaphore, #tpu.memory_space<semaphore_mem>>) src(%dma_wait3A_395 : memref<8x2048xf32, #tpu.memory_space<hbm>>) dst(%dma_wait3A_391 : memref<8x2048xf32, #tpu.memory_space<vmem>>)
    %dma_wait3A_396 = arith.constant 0 : i32
    %dma_wait3A_397 = arith.constant 0 : i32
    %dma_wait3A_398 = arith.constant 0 : i32
    %dma_wait3A_399 = arith.constant 0 : i32
    %dma_wait3A_400 = tpu.memref_slice %arg4[%dma_wait3A_397, %dma_wait3A_398, %dma_wait3A_399] : memref<2x8x4224xf32, #tpu.memory_space<vmem>> -> memref<1x8x2048xf32, #tpu.memory_space<vmem>>
    %dma_wait3A_401 = tpu.memref_squeeze %dma_wait3A_400 : memref<1x8x2048xf32, #tpu.memory_space<vmem>> -> memref<8x2048xf32, #tpu.memory_space<vmem>>
    %dma_wait3A_402 = arith.constant 0 : i32
    %dma_wait3A_403 = arith.constant 0 : i32
    %dma_wait3A_404 = tpu.memref_slice %arg2[%dma_wait3A_396, %dma_wait3A_402, %dma_wait3A_403] : memref<12x128x4224xf32, #tpu.memory_space<hbm>> -> memref<1x8x2048xf32, #tpu.memory_space<hbm>>
    %dma_wait3A_405 = tpu.memref_squeeze %dma_wait3A_404 : memref<1x8x2048xf32, #tpu.memory_space<hbm>> -> memref<8x2048xf32, #tpu.memory_space<hbm>>
    %dma_wait3A_406 = arith.constant 0 : i32
    %dma_wait3A_407 = arith.constant 0 : i32
    %dma_wait3A_408 = tpu.memref_slice %arg4[%dma_wait3A_397, %dma_wait3A_406, %dma_wait3A_407] : memref<2x8x4224xf32, #tpu.memory_space<vmem>> -> memref<1x8x2048xf32, #tpu.memory_space<vmem>>
    %dma_wait3A_409 = tpu.memref_squeeze %dma_wait3A_408 : memref<1x8x2048xf32, #tpu.memory_space<vmem>> -> memref<8x2048xf32, #tpu.memory_space<vmem>>
    %dma_wait3A_410 = arith.constant 0 : i32
    %dma_wait3A_411 = arith.constant 0 : i32
    %dma_wait3A_412 = tpu.memref_slice %arg2[%dma_wait3A_396, %dma_wait3A_410, %dma_wait3A_411] : memref<12x128x4224xf32, #tpu.memory_space<hbm>> -> memref<1x8x2048xf32, #tpu.memory_space<hbm>>
    %dma_wait3A_413 = tpu.memref_squeeze %dma_wait3A_412 : memref<1x8x2048xf32, #tpu.memory_space<hbm>> -> memref<8x2048xf32, #tpu.memory_space<hbm>>
    tpu.wait_dma2 semaphore(%arg5 : memref<!tpu.dma_semaphore, #tpu.memory_space<semaphore_mem>>) src(%dma_wait3A_413 : memref<8x2048xf32, #tpu.memory_space<hbm>>) dst(%dma_wait3A_409 : memref<8x2048xf32, #tpu.memory_space<vmem>>)
    %dma_wait3A_414 = arith.constant 1 : i32
    %dma_wait3A_415 = arith.constant 0 : i32
    %dma_wait3A_416 = arith.constant 0 : i32
    %dma_wait3A_417 = tpu.memref_slice %arg4[%dma_wait3A_414, %dma_wait3A_415, %dma_wait3A_416] : memref<2x8x4224xf32, #tpu.memory_space<vmem>> -> memref<1x8x4224xf32, #tpu.memory_space<vmem>>
    %dma_wait3A_418 = tpu.memref_squeeze %dma_wait3A_417 : memref<1x8x4224xf32, #tpu.memory_space<vmem>> -> memref<8x4224xf32, #tpu.memory_space<vmem>>
    %dma_wait3A_419 = arith.constant 0 : i32
    %dma_wait3A_420 = tpu.memref_slice %arg2[%add3A_353, %multiple_of3A_356, %dma_wait3A_419] : memref<12x128x4224xf32, #tpu.memory_space<hbm>> -> memref<1x8x4224xf32, #tpu.memory_space<hbm>>
    %dma_wait3A_421 = tpu.memref_squeeze %dma_wait3A_420 : memref<1x8x4224xf32, #tpu.memory_space<hbm>> -> memref<8x4224xf32, #tpu.memory_space<hbm>>
    %dma_wait3A_422 = arith.constant 0 : i32
    %dma_wait3A_423 = arith.constant 0 : i32
    %dma_wait3A_424 = tpu.memref_slice %arg4[%dma_wait3A_414, %dma_wait3A_422, %dma_wait3A_423] : memref<2x8x4224xf32, #tpu.memory_space<vmem>> -> memref<1x8x4224xf32, #tpu.memory_space<vmem>>
    %dma_wait3A_425 = tpu.memref_squeeze %dma_wait3A_424 : memref<1x8x4224xf32, #tpu.memory_space<vmem>> -> memref<8x4224xf32, #tpu.memory_space<vmem>>
    %dma_wait3A_426 = arith.constant 0 : i32
    %dma_wait3A_427 = tpu.memref_slice %arg2[%add3A_353, %multiple_of3A_356, %dma_wait3A_426] : memref<12x128x4224xf32, #tpu.memory_space<hbm>> -> memref<1x8x4224xf32, #tpu.memory_space<hbm>>
    %dma_wait3A_428 = tpu.memref_squeeze %dma_wait3A_427 : memref<1x8x4224xf32, #tpu.memory_space<hbm>> -> memref<8x4224xf32, #tpu.memory_space<hbm>>
    tpu.wait_dma2 semaphore(%arg6 : memref<!tpu.dma_semaphore, #tpu.memory_space<semaphore_mem>>) src(%dma_wait3A_428 : memref<8x4224xf32, #tpu.memory_space<hbm>>) dst(%dma_wait3A_425 : memref<8x4224xf32, #tpu.memory_space<vmem>>)
    %add3A_429 = arith.constant 5 : i32
    %add3A_430 = arith.addi %mul3A_4, %add3A_429 : i32
    %scan3A_431 = arith.constant 0 : i32
    %scan3A_432 = arith.constant 0 : i32
    %scan3A_433 = arith.constant 16 : i32
    %scan3A_434 = arith.addi %scan3A_432, %scan3A_433 : i32
    %scan3A_435 = arith.constant 1 : i32
    scf.for %scan3A_473 = %scan3A_432 to %scan3A_434 step %scan3A_435  : i32 {
      %mul3A_474 = arith.constant 128 : i32
      %mul3A_475 = arith.muli %mul3A_474, %scan3A_473 : i32
      %mul3A_476 = arith.constant 8 : i32
      %mul3A_477 = arith.muli %mul3A_476, %and3A_1 : i32
      %add3A_478 = arith.addi %mul3A_475, %mul3A_477 : i32
      %multiple_of3A_479 = tpu.assume_multiple %add3A_478, 8 : i32
      %mul3A_480 = arith.constant 128 : i32
      %mul3A_481 = arith.muli %mul3A_480, %scan3A_473 : i32
      %sub3A = arith.constant 2048 : i32
      %sub3A_482 = arith.subi %sub3A, %mul3A_481 : i32
      %multiple_of3A_483 = tpu.assume_multiple %sub3A_482, 128 : i32
      %dma_start3A_484 = arith.constant 1 : i32
      %dma_start3A_485 = arith.constant 0 : i32
      %dma_start3A_486 = arith.constant 0 : i32
      %dma_start3A_487 = tpu.memref_slice %arg4[%dma_start3A_484, %dma_start3A_486, %multiple_of3A_483] : memref<2x8x4224xf32, #tpu.memory_space<vmem>> -> memref<1x8x2048xf32, #tpu.memory_space<vmem>>
      %dma_start3A_488 = tpu.memref_squeeze %dma_start3A_487 : memref<1x8x2048xf32, #tpu.memory_space<vmem>> -> memref<8x2048xf32, #tpu.memory_space<vmem>>
      %dma_start3A_489 = arith.constant 0 : i32
      %dma_start3A_490 = tpu.memref_slice %arg3[%dma_start3A_485, %add3A_430, %multiple_of3A_479, %dma_start3A_489] : memref<1x12x2048x2048xf32, #tpu.memory_space<hbm>> -> memref<1x1x8x2048xf32, #tpu.memory_space<hbm>>
      %dma_start3A_491 = tpu.memref_squeeze %dma_start3A_490 : memref<1x1x8x2048xf32, #tpu.memory_space<hbm>> -> memref<8x2048xf32, #tpu.memory_space<hbm>>
      %dma_start3A_492 = arith.constant 0 : i32
      %dma_start3A_493 = tpu.memref_slice %arg3[%dma_start3A_485, %add3A_430, %multiple_of3A_479, %dma_start3A_492] : memref<1x12x2048x2048xf32, #tpu.memory_space<hbm>> -> memref<1x1x8x2048xf32, #tpu.memory_space<hbm>>
      %dma_start3A_494 = tpu.memref_squeeze %dma_start3A_493 : memref<1x1x8x2048xf32, #tpu.memory_space<hbm>> -> memref<8x2048xf32, #tpu.memory_space<hbm>>
      %dma_start3A_495 = arith.constant 0 : i32
      %dma_start3A_496 = tpu.memref_slice %arg4[%dma_start3A_484, %dma_start3A_495, %multiple_of3A_483] : memref<2x8x4224xf32, #tpu.memory_space<vmem>> -> memref<1x8x2048xf32, #tpu.memory_space<vmem>>
      %dma_start3A_497 = tpu.memref_squeeze %dma_start3A_496 : memref<1x8x2048xf32, #tpu.memory_space<vmem>> -> memref<8x2048xf32, #tpu.memory_space<vmem>>
      tpu.enqueue_dma source(%dma_start3A_497 : memref<8x2048xf32, #tpu.memory_space<vmem>>) target(%dma_start3A_494 : memref<8x2048xf32, #tpu.memory_space<hbm>>) target_semaphore(%arg5 : memref<!tpu.dma_semaphore, #tpu.memory_space<semaphore_mem>>)
      %ge3A = arith.constant 2 : i32
      %ge3A_498 = arith.cmpi sge, %scan3A_473, %ge3A : i32
      %convert_element_type3A = arith.extui %ge3A_498 : i1 to i32
      %cond3A = arith.constant 0 : i32
      %cond3A_499 = arith.cmpi ne, %convert_element_type3A, %cond3A : i32
      scf.if %cond3A_499 {
        %dma_wait3A_500 = arith.constant 0 : i32
        %dma_wait3A_501 = arith.constant 0 : i32
        %dma_wait3A_502 = arith.constant 0 : i32
        %dma_wait3A_503 = arith.constant 0 : i32
        %dma_wait3A_504 = tpu.memref_slice %arg4[%dma_wait3A_501, %dma_wait3A_502, %dma_wait3A_503] : memref<2x8x4224xf32, #tpu.memory_space<vmem>> -> memref<1x8x2048xf32, #tpu.memory_space<vmem>>
        %dma_wait3A_505 = tpu.memref_squeeze %dma_wait3A_504 : memref<1x8x2048xf32, #tpu.memory_space<vmem>> -> memref<8x2048xf32, #tpu.memory_space<vmem>>
        %dma_wait3A_506 = arith.constant 0 : i32
        %dma_wait3A_507 = arith.constant 0 : i32
        %dma_wait3A_508 = tpu.memref_slice %arg2[%dma_wait3A_500, %dma_wait3A_506, %dma_wait3A_507] : memref<12x128x4224xf32, #tpu.memory_space<hbm>> -> memref<1x8x2048xf32, #tpu.memory_space<hbm>>
        %dma_wait3A_509 = tpu.memref_squeeze %dma_wait3A_508 : memref<1x8x2048xf32, #tpu.memory_space<hbm>> -> memref<8x2048xf32, #tpu.memory_space<hbm>>
        %dma_wait3A_510 = arith.constant 0 : i32
        %dma_wait3A_511 = arith.constant 0 : i32
        %dma_wait3A_512 = tpu.memref_slice %arg4[%dma_wait3A_501, %dma_wait3A_510, %dma_wait3A_511] : memref<2x8x4224xf32, #tpu.memory_space<vmem>> -> memref<1x8x2048xf32, #tpu.memory_space<vmem>>
        %dma_wait3A_513 = tpu.memref_squeeze %dma_wait3A_512 : memref<1x8x2048xf32, #tpu.memory_space<vmem>> -> memref<8x2048xf32, #tpu.memory_space<vmem>>
        %dma_wait3A_514 = arith.constant 0 : i32
        %dma_wait3A_515 = arith.constant 0 : i32
        %dma_wait3A_516 = tpu.memref_slice %arg2[%dma_wait3A_500, %dma_wait3A_514, %dma_wait3A_515] : memref<12x128x4224xf32, #tpu.memory_space<hbm>> -> memref<1x8x2048xf32, #tpu.memory_space<hbm>>
        %dma_wait3A_517 = tpu.memref_squeeze %dma_wait3A_516 : memref<1x8x2048xf32, #tpu.memory_space<hbm>> -> memref<8x2048xf32, #tpu.memory_space<hbm>>
        tpu.wait_dma2 semaphore(%arg5 : memref<!tpu.dma_semaphore, #tpu.memory_space<semaphore_mem>>) src(%dma_wait3A_517 : memref<8x2048xf32, #tpu.memory_space<hbm>>) dst(%dma_wait3A_513 : memref<8x2048xf32, #tpu.memory_space<vmem>>)
      } else {
      }
    }
    %scan3A_436 = arith.constant 16 : i32
    %dma_wait3A_437 = arith.constant 0 : i32
    %dma_wait3A_438 = arith.constant 0 : i32
    %dma_wait3A_439 = arith.constant 0 : i32
    %dma_wait3A_440 = arith.constant 0 : i32
    %dma_wait3A_441 = tpu.memref_slice %arg4[%dma_wait3A_438, %dma_wait3A_439, %dma_wait3A_440] : memref<2x8x4224xf32, #tpu.memory_space<vmem>> -> memref<1x8x2048xf32, #tpu.memory_space<vmem>>
    %dma_wait3A_442 = tpu.memref_squeeze %dma_wait3A_441 : memref<1x8x2048xf32, #tpu.memory_space<vmem>> -> memref<8x2048xf32, #tpu.memory_space<vmem>>
    %dma_wait3A_443 = arith.constant 0 : i32
    %dma_wait3A_444 = arith.constant 0 : i32
    %dma_wait3A_445 = tpu.memref_slice %arg2[%dma_wait3A_437, %dma_wait3A_443, %dma_wait3A_444] : memref<12x128x4224xf32, #tpu.memory_space<hbm>> -> memref<1x8x2048xf32, #tpu.memory_space<hbm>>
    %dma_wait3A_446 = tpu.memref_squeeze %dma_wait3A_445 : memref<1x8x2048xf32, #tpu.memory_space<hbm>> -> memref<8x2048xf32, #tpu.memory_space<hbm>>
    %dma_wait3A_447 = arith.constant 0 : i32
    %dma_wait3A_448 = arith.constant 0 : i32
    %dma_wait3A_449 = tpu.memref_slice %arg4[%dma_wait3A_438, %dma_wait3A_447, %dma_wait3A_448] : memref<2x8x4224xf32, #tpu.memory_space<vmem>> -> memref<1x8x2048xf32, #tpu.memory_space<vmem>>
    %dma_wait3A_450 = tpu.memref_squeeze %dma_wait3A_449 : memref<1x8x2048xf32, #tpu.memory_space<vmem>> -> memref<8x2048xf32, #tpu.memory_space<vmem>>
    %dma_wait3A_451 = arith.constant 0 : i32
    %dma_wait3A_452 = arith.constant 0 : i32
    %dma_wait3A_453 = tpu.memref_slice %arg2[%dma_wait3A_437, %dma_wait3A_451, %dma_wait3A_452] : memref<12x128x4224xf32, #tpu.memory_space<hbm>> -> memref<1x8x2048xf32, #tpu.memory_space<hbm>>
    %dma_wait3A_454 = tpu.memref_squeeze %dma_wait3A_453 : memref<1x8x2048xf32, #tpu.memory_space<hbm>> -> memref<8x2048xf32, #tpu.memory_space<hbm>>
    tpu.wait_dma2 semaphore(%arg5 : memref<!tpu.dma_semaphore, #tpu.memory_space<semaphore_mem>>) src(%dma_wait3A_454 : memref<8x2048xf32, #tpu.memory_space<hbm>>) dst(%dma_wait3A_450 : memref<8x2048xf32, #tpu.memory_space<vmem>>)
    %dma_wait3A_455 = arith.constant 0 : i32
    %dma_wait3A_456 = arith.constant 0 : i32
    %dma_wait3A_457 = arith.constant 0 : i32
    %dma_wait3A_458 = arith.constant 0 : i32
    %dma_wait3A_459 = tpu.memref_slice %arg4[%dma_wait3A_456, %dma_wait3A_457, %dma_wait3A_458] : memref<2x8x4224xf32, #tpu.memory_space<vmem>> -> memref<1x8x2048xf32, #tpu.memory_space<vmem>>
    %dma_wait3A_460 = tpu.memref_squeeze %dma_wait3A_459 : memref<1x8x2048xf32, #tpu.memory_space<vmem>> -> memref<8x2048xf32, #tpu.memory_space<vmem>>
    %dma_wait3A_461 = arith.constant 0 : i32
    %dma_wait3A_462 = arith.constant 0 : i32
    %dma_wait3A_463 = tpu.memref_slice %arg2[%dma_wait3A_455, %dma_wait3A_461, %dma_wait3A_462] : memref<12x128x4224xf32, #tpu.memory_space<hbm>> -> memref<1x8x2048xf32, #tpu.memory_space<hbm>>
    %dma_wait3A_464 = tpu.memref_squeeze %dma_wait3A_463 : memref<1x8x2048xf32, #tpu.memory_space<hbm>> -> memref<8x2048xf32, #tpu.memory_space<hbm>>
    %dma_wait3A_465 = arith.constant 0 : i32
    %dma_wait3A_466 = arith.constant 0 : i32
    %dma_wait3A_467 = tpu.memref_slice %arg4[%dma_wait3A_456, %dma_wait3A_465, %dma_wait3A_466] : memref<2x8x4224xf32, #tpu.memory_space<vmem>> -> memref<1x8x2048xf32, #tpu.memory_space<vmem>>
    %dma_wait3A_468 = tpu.memref_squeeze %dma_wait3A_467 : memref<1x8x2048xf32, #tpu.memory_space<vmem>> -> memref<8x2048xf32, #tpu.memory_space<vmem>>
    %dma_wait3A_469 = arith.constant 0 : i32
    %dma_wait3A_470 = arith.constant 0 : i32
    %dma_wait3A_471 = tpu.memref_slice %arg2[%dma_wait3A_455, %dma_wait3A_469, %dma_wait3A_470] : memref<12x128x4224xf32, #tpu.memory_space<hbm>> -> memref<1x8x2048xf32, #tpu.memory_space<hbm>>
    %dma_wait3A_472 = tpu.memref_squeeze %dma_wait3A_471 : memref<1x8x2048xf32, #tpu.memory_space<hbm>> -> memref<8x2048xf32, #tpu.memory_space<hbm>>
    tpu.wait_dma2 semaphore(%arg5 : memref<!tpu.dma_semaphore, #tpu.memory_space<semaphore_mem>>) src(%dma_wait3A_472 : memref<8x2048xf32, #tpu.memory_space<hbm>>) dst(%dma_wait3A_468 : memref<8x2048xf32, #tpu.memory_space<vmem>>)
    return
  }
}

</mosaic_0001>

<sc_bundles>
// kernel: kernel.3.cloned.1.call-start
scs
__scs_entry_jumppad:
0x0: {  	(pc) =	sbr.rel $0x88, $3  }
0x1: {  	(tag) =	ssettag $0x0;
	lr =	simm.s32 $0x1  }
0x2: {  	[smem:$0x3F9E] =	sst lr;
	_ =	strace $0xD0000000  }
0x3: {  	_ = 	snop  }
0x4: {  	_ = 	snop  }
0x5: {  	_ = 	snop  }
0x6: {  	_ = 	snop  }
0x7: {  	_ = 	snop  }
__scs_overlays_trampoline_lowered:
0x8: {  	[smem:$0x3FAD] =	sst s0  }
0x9: {  	[smem:$0x3FAE] =	sst s1  }
0xa: {  	[smem:$0x3FAF] =	sst s2  }
0xb: {  	[smem:$0x3FB0] =	sst s3  }
0xc: {  	[smem:$0x3FB1] =	sst s4  }
0xd: {  	[smem:$0x3FB2] =	sst s5  }
0xe: {  	[smem:$0x3FB3] =	sst s6  }
0xf: {  	[smem:$0x3FB4] =	sst s7  }
0x10: {  	[smem:$0x3FB5] =	sst s8  }
0x11: {  	[smem:$0x3FB6] =	sst s9;
	s0 =	simm.s32 @!p0 $0x0  }
0x12: {  	s1 =	sld [smem:$0x3F9C];
	s0 =	simm.s32 @p0 $0x1  }
0x13: {  	[smem:$0x3FB7] =	sst s0;
	s0 =	simm.s32 @!p1 $0x0  }
0x14: {  	s2 =	sld [smem:$0x3F9B];
	s0 =	simm.s32 @p1 $0x1  }
0x15: {  	[smem:$0x3FB8] =	sst s0;
	s0 =	simm.s32 @!p2 $0x0  }
0x16: {  	s3 =	sld [smem:$0x3FDB];
	s0 =	simm.s32 @p2 $0x1  }
0x17: {  	s4 =	simm.s32 $0x1BF5;
	[smem:$0x3FBA] =	sst s0  }
0x18: {  	s0 =	sld [smem:$0x3F9D];
	_ =	swait.ge [sflag:s4], $0x0  }
0x19: {  	s7 =	sld [smem:$0x3F9E]  }
0x1a: {  	s8 =	sadd.s32 $0xFFFFE003, lr  }
0x1b: {  	s9 =	sadd.s32 $0xFFFFFEF7, lr;
	s5 =	simm.s32 $0xFFFFFFFF;
	p2 =	slt.u32 s8, $0xFFFFF086  }
0x1c: {  	p1 =	slt.u32 s9, $0xF7A;
	s5 =	simm.s32 @!p2 $0x0  }
0x1d: {  	s5 =	simm.s32 @p1 $0x1;
	p0 =	seq.s32 s7, s2  }
0x1e: {  	s7 =	smul.u32 @!p0 $0xF7A, s2;
	p2 =	seq.s32 @!p0 s5, $0x0  }
0x1f: {  	s9 =	smul.u32 $0xF7A, s1;
	s8 =	simm.s32 @!p0 $0x1BF5;
	p2 =	por !p2, p0  }
0x20: {  	[sflag:s8] =	ssyncset.s32 @!p0 $0xFFFFF086;
	s6 =	sadd.s32 @!p0 s3, s7;
	s7 =	simm.s32 @!p0 $0x108  }
0x21: {  	s3 =	sadd.s32 s3, s9;
	s6 =	sadd.s32 @!p0 $0x88, s6;
	s7 =	simm.s32 @p2 $0x1082  }
0x22: {  	[simem:s7], [sflag:s8] =	dma.local @!p0 [hbm:s6], $0xF7A  }
0x23: {  	s9 =	sor.u32 $0xD0000000, s2;
	s6 =	simm.s32 $0x108;
	_ =	swait.ge @!p0 [sflag:s8], $0x0  }
0x24: {  	s3 =	sadd.s32 $0x88, s3;
	s6 =	simm.s32 @!p1 $0x1082;
	[sflag:s4] =	ssyncset.s32 $0xFFFFF086  }
0x25: {  	[simem:s6], [sflag:s4] =	dma.local [hbm:s3], $0xF7A  }
0x26: {  	[smem:$0x3F9E] =	sst s1;
	(tag) =	ssettag s2;
	_ =	strace s9  }
0x27: {  	s1 =	sld [smem:$0x3FAE]  }
0x28: {  	s2 =	sld [smem:$0x3FAF]  }
0x29: {  	s4 =	sld [smem:$0x3FB1]  }
0x2a: {  	p0 =	seq.s32 s5, $0x0;
	s5 =	sld [smem:$0x3FB2]  }
0x2b: {  	s6 =	sld [smem:$0x3FB3]  }
0x2c: {  	s7 =	sld [smem:$0x3FB4]  }
0x2d: {  	s3 =	simm.s32 $0x108;
	s8 =	sld [smem:$0x3FB5]  }
0x2e: {  	s3 =	simm.s32 @!p0 $0x1082;
	s9 =	sld [smem:$0x3FB6]  }
0x2f: {  	lr =	sadd.s32 s0, s3;
	s0 =	sld [smem:$0x3FAD]  }
0x30: {  	s3 =	sld [smem:$0x3FB0]  }
0x31: {  	[smem:$0x3FB9] =	sst s10  }
0x32: {  	s10 =	sld [smem:$0x3FB7];
	_ =	sdelay $0x3  }
0x33: {  	p0 =	seq.s32 s10, $0x1;
	s10 =	sld [smem:$0x3FB9];
	_ =	sdelay $0x3  }
0x34: {  	[smem:$0x3FB9] =	sst s10  }
0x35: {  	s10 =	sld [smem:$0x3FB8];
	_ =	sdelay $0x3  }
0x36: {  	p1 =	seq.s32 s10, $0x1;
	s10 =	sld [smem:$0x3FB9];
	_ =	sdelay $0x3  }
0x37: {  	[smem:$0x3FB9] =	sst s10  }
0x38: {  	s10 =	sld [smem:$0x3FBA]  }
0x39: {  	_ = 	snop;
	(pc) =	sbr.ind lr, $3  }
0x3a: {  	_ = 	snop  }
0x3b: {  	_ = 	snop  }
0x3c: {  	p2 =	seq.s32 s10, $0x1;
	s10 =	sld [smem:$0x3FB9]  }
0x3d: {  	_ =	shalt  }
0x3e: {  	_ =	shalt  }
0x3f: {  	_ =	shalt  }
0x40: {  	_ =	shalt  }
0x41: {  	_ =	shalt  }
0x42: {  	_ =	shalt  }
0x43: {  	_ =	shalt  }
0x44: {  	_ =	shalt  }
0x45: {  	_ =	shalt  }
0x46: {  	_ =	shalt  }
0x47: {  	_ =	shalt  }
0x48: {  	_ =	shalt  }
0x49: {  	_ =	shalt  }
0x4a: {  	_ =	shalt  }
0x4b: {  	_ =	shalt  }
0x4c: {  	_ =	shalt  }
0x4d: {  	_ =	shalt  }
0x4e: {  	_ =	shalt  }
0x4f: {  	_ =	shalt  }
0x50: {  	_ =	shalt  }
0x51: {  	_ =	shalt  }
0x52: {  	_ =	shalt  }
0x53: {  	_ =	shalt  }
0x54: {  	_ =	shalt  }
0x55: {  	_ =	shalt  }
0x56: {  	_ =	shalt  }
0x57: {  	_ =	shalt  }
0x58: {  	_ =	shalt  }
0x59: {  	_ =	shalt  }
0x5a: {  	_ =	shalt  }
0x5b: {  	_ =	shalt  }
0x5c: {  	_ =	shalt  }
0x5d: {  	_ =	shalt  }
0x5e: {  	_ =	shalt  }
0x5f: {  	_ =	shalt  }
0x60: {  	_ =	shalt  }
0x61: {  	_ =	shalt  }
0x62: {  	_ =	shalt  }
0x63: {  	_ =	shalt  }
0x64: {  	_ =	shalt  }
0x65: {  	_ =	shalt  }
0x66: {  	_ =	shalt  }
0x67: {  	_ =	shalt  }
0x68: {  	_ =	shalt  }
0x69: {  	_ =	shalt  }
0x6a: {  	_ =	shalt  }
0x6b: {  	_ =	shalt  }
0x6c: {  	_ =	shalt  }
0x6d: {  	_ =	shalt  }
0x6e: {  	_ =	shalt  }
0x6f: {  	_ =	shalt  }
0x70: {  	_ =	shalt  }
0x71: {  	_ =	shalt  }
0x72: {  	_ =	shalt  }
0x73: {  	_ =	shalt  }
0x74: {  	_ =	shalt  }
0x75: {  	_ =	shalt  }
0x76: {  	_ =	shalt  }
0x77: {  	_ =	shalt  }
0x78: {  	_ =	shalt  }
0x79: {  	_ =	shalt  }
0x7a: {  	_ =	shalt  }
0x7b: {  	_ =	shalt  }
0x7c: {  	_ =	shalt  }
0x7d: {  	_ =	shalt  }
0x7e: {  	_ =	shalt  }
0x7f: {  	_ =	shalt  }
0x80: {  	_ =	shalt  }
0x81: {  	_ =	shalt  }
0x82: {  	_ =	shalt  }
0x83: {  	_ =	shalt  }
0x84: {  	_ =	shalt  }
0x85: {  	_ =	shalt  }
0x86: {  	_ =	shalt  }
0x87: {  	_ =	shalt  }
.Lfunc_end0:
.L_simem_size_0:
called_computation.1_lowered:
.L_overlay_start_0:
0x88: {  	s2 =	sld [smem:$0x3FD9]  }
0x89: {  	s3 =	sld [smem:$0x3FFE];
	_ =	sdelay $0x1  }
0x8a: {  	s1 =	srdreg.scid  }
0x8b: {  	s0 =	sand.u32 $0x1, s1  }
0x8c: {  	s17 =	sshll.u32 s0, $0xA;
	s2 =	sadd.s32 s3, s2  }
0x8d: {  	s2 =	sadd.s32 s2, s17  }
0x8e: {  	[smem:$0x3FC5] =	sst s2  }
0x8f: {  	_ = 	snop  }
0x90: {  	s2 =	sld [smem:$0x3FD0];
	(tm) =	ssettm $0x1  }
0x91: {  	s18 =	sld [smem:$0x3FFB];
	_ =	sdelay $0x3  }
0x92: {  	_ =	strace s18  }
0x93: {  	s3 =	sld [smem:$0x3FFC];
	_ =	sdelay $0x3  }
0x94: {  	_ =	strace s3  }
0x95: {  	s3 =	sld [smem:$0x3FFD];
	_ =	sdelay $0x3  }
0x96: {  	_ =	strace s3  }
0x97: {  	_ =	strace $0x8FFFFFFF  }
0x98: {  	s19 =	sld [smem:$0x3FDB];
	_ =	sdelay $0x1  }
0x99: {  	s4 =	simm.s32 $_scs_section_size  }
0x9a: {  	s5 =	simm.s32 $_size__tile_overlayer_lowered;
	s6 =	simm.s32 $_tile_overlayer_lowered  }
0x9b: {  	s22 =	simm.s32 $0x1BFF;
	s21 =	sshll.u32 s6, $0x1;
	s3 =	sadd.s32 s4, s19  }
0x9c: {  	s7 =	simm.s32 $0x0;
	s20 =	sshll.u32 s5, $0x1;
	s5 =	sadd.s32 s21, s3  }
0x9d: {  	[timem:s7], [sflag:s22] =	dma.local [hbm:s5], s20  }
0x9e: {  	_ =	swait.ge [sflag:s22], s20  }
0x9f: {  	s4 =	ssub.s32 $0x0, s20;
	[sflag:s22] =	ssyncset.done $0x0  }
0xa0: {  	[sflag:s22] =	ssyncadd.s32 s4;
	_ =	sdelay $0x1  }
0xa1: {  	s23 =	simm.s32 $0x1B8B  }
0xa2: {  	_ =	swait.ge [sflag:s23], $0x1  }
0xa3: {  	[sflag:s23] =	ssyncset.done $0x0  }
0xa4: {  	s25 =	simm.s32 $0x1B8E;
	s24 =	sld [smem:$0x3FFE];
	[sflag:s23] =	ssyncadd.s32 $0xFFFFFFFF  }
0xa5: {  	s26 =	simm.s32 $execute0_lowered;
	[smem:$0x3FD2] =	sst s25  }
0xa6: {  	s5 =	sshll.u32 s26, $0x1;
	_ =	strace $0x80000049;
	[dreg:$0x1] =	wrdreg $0xFFFFFFFF  }
0xa7: {  	s28 =	simm.s32 $_size_execute0_lowered;
	s3 =	sadd.s32 s3, s5;
	[dreg:$0x0] =	wrdreg $0x0  }
0xa8: {  	s5 =	sshll.u32 s28, $0x1;
	[dreg:$0x2] =	wrdreg s3  }
0xa9: {  	[dreg:$0x3] =	wrdreg s5  }
0xaa: {  	[dreg:$0x4] =	wrdreg $0xC0  }
0xab: {  	_ =	task [dreg:s7], $0x5FFFF  }
0xac: {  	[dreg:$0x1] =	wrdreg $0xFFFFFFFF  }
0xad: {  	[dreg:$0x0] =	wrdreg $0x60  }
0xae: {  	[dreg:$0x2] =	wrdreg s24  }
0xaf: {  	[dreg:$0x3] =	wrdreg s2  }
0xb0: {  	[dreg:$0x4] =	wrdreg $0x9  }
0xb1: {  	_ =	task.clear_ibuf [dreg:s7], $0x5FFFF;
	_ =	strace $0x90000049  }
0xb2: {  	s29 =	simm.s32 $0x9;
	_ =	strace $0x8000004B  }
0xb3: {  	_ =	swait.ge [sflag:s29], $0x1  }
0xb4: {  	[sflag:s29] =	ssyncadd.s32 $0xFFFFFFFF  }
0xb5: {  	_ =	strace $0x9000004B  }
0xb6: {  	_ =	sfence  }
0xb7: {  	s30 =	sld [smem:$0x0];
	_ =	sdelay $0x2  }
0xb8: {  	s31 =	sshll.u32 s1, $0xD;
	s1 =	sshrl.u32 s1, $0x2  }
0xb9: {  	s3 =	sand.u32 $0x4000, s31;
	s1 =	sadd.s32 s1, s30  }
0xba: {  	s0 =	sor.u32 s3, s0;
	s1 =	sshll.u32 s1, $0x11  }
0xbb: {  	s0 =	sor.u32 s1, s0  }
0xbc: {  	s0 =	sadd.s32 $0x8F2B, s0  }
0xbd: {  	[sflag:s0] =	ssyncadd.remote.s32 $0x1  }
0xbe: {  	_ =	sfence.sel $0xFFFF  }
0xbf: {  	[dreg:$0x0] =	wrdreg $0xFFFFFFFF;
	(pc) =	sbr.abs _section_cstart, $3  }
0xc0: {  	[dreg:$0x1] =	wrdreg $0xFFFFFFFF  }
0xc1: {  	_ =	task.clear_ibuf [dreg:s7], $0x2FFFF;
	_ =	strace $0x9FFFFFFF  }
0xc2: {  	(tm) =	ssettm $0x7FFFFFFF  }
0xc3: {  	_ =	shalt  }
tec
execute0_lowered:
.L_overlay_start_1:
0x0: {  	(tag) =	ssettag $0x1  }
0x1: {  	s0 =	srdreg.scid  }
0x2: {  	s16 =	stileid.u32;
	s3 =	rddreg [dreg:$0x0];
	s29 =	simm.s32 $0x2  }
0x3: {  	s30 =	simm.s32 $0x8400;
	s31 =	simm.s32 $0x4000;
	s5 =	sshrl.u32 s16, $0x3  }
0x4: {  	s1 =	sand.u32 $0x1, s0;
	s2 =	sshll.u32 s16, $0x4;
	s6 =	smul.u32 $0x6, s5  }
0x5: {  	s0 =	rddreg [dreg:$0x1];
	s3 =	sadd.s32 $0x800, s3;
	s9 =	smul.u32 $0x318000, s5  }
0x6: {  	s4 =	sshll.u32 s1, $0x3;
	s2 =	sand.u32 $0x70, s2;
	s17 =	smul.u32 $0x1800000, s5  }
0x7: {  	s8 =	ssub.s32 $0x2, s1;
	s5 =	smul.u32 $0x300000, s5;
	s4 =	sor.u32 s4, s2  }
0x8: {  	s2 =	simm.s32 $0x0;
	s11 =	sshrl.u32 s8, $0x1;
	s7 =	sshrl.u32 s4, $0x3  }
0x9: {  	[smem:$0x7FF] =	sst s2;
	s10 =	sor.u32 $0x1, s6;
	s15 =	ssub.s32 s8, s11  }
0xa: {  	s24 =	sadd.s32 $0x2, s6;
	s26 =	sshll.u32 s4, $0xB;
	s7 =	smul.u32 $0x8400, s7  }
0xb: {  	s4 =	sshll.u32 s4, $0x8;
	s6 =	sshll.u32 s6, $0x13;
	s12 =	smul.u32 $0x84000, s10  }
0xc: {  	s5 =	sadd.s32 s5, s0;
	_ =	strace $0x8000004A;
	s13 =	smul.u32 $0x84000, s24  }
0xd: {  	s14 =	sor.u32 s17, s26;
	s10 =	sshll.u32 s10, $0x13;
	s4 =	sadd.s32 s0, s4  }
0xe: {  	s15 =	smax.u32 s15, $0x1;
	s21 =	sadd.s32 s10, s4;
	s22 =	sshrl.u32 s14, $0x3  }
0xf: {  	s9 =	sadd.s32 s9, s7;
	s23 =	sadd.s32 s12, s7;
	s7 =	sadd.s32 s13, s7  }
0x10: {  	s13 =	sshll.u32 s24, $0x13;
	s14 =	sadd.s32 s0, s22;
	s10 =	smov.u32 s21  }
0x11: {  	s25 =	sshrl.u32 s9, $0x3;
	s8 =	sshrl.u32 s23, $0x3;
	s7 =	sshrl.u32 s7, $0x3  }
0x12: {  	s18 =	sadd.s32 $0x210000, s9;
	s19 =	sadd.s32 $0x294000, s9;
	s23 =	sand.u32 $0x7, s16  }
0x13: {  	s16 =	sadd.s32 $0x8000, s14;
	s12 =	sadd.s32 s3, s25;
	s8 =	sadd.s32 s3, s8  }
0x14: {  	s7 =	sadd.s32 s3, s7;
	s24 =	sshll.u32 s23, $0xF;
	[dreg:$0x3] =	wrdreg s12  }
0x15: {  	s25 =	sshll.u32 s1, $0xE;
	s1 =	sshll.u32 s1, $0xB;
	[dreg:$0x4] =	wrdreg s8  }
0x16: {  	[dreg:$0x5] =	wrdreg s7;
	s12 =	sadd.s32 $0x18C000, s9;
	s8 =	sadd.s32 s13, s4  }
0x17: {  	s4 =	sadd.s32 s4, s6;
	s6 =	sshrl.u32 s19, $0x3;
	s7 =	sshrl.u32 s12, $0x3  }
0x18: {  	s20 =	sadd.s32 $0x180000, s4;
	s11 =	sadd.s32 s3, s6;
	s12 =	sadd.s32 $0x200000, s4  }
0x19: {  	s13 =	sadd.s32 $0x280000, s4;
	s6 =	sor.u32 s24, s17;
	s17 =	sadd.s32 $0x188000, s4  }
0x1a: {  	s19 =	sadd.s32 $0x288000, s4;
	s7 =	sadd.s32 s3, s7;
	[dreg:$0x8] =	wrdreg s20  }
0x1b: {  	s28 =	sadd.s32 $0x8000, s8;
	s6 =	sor.u32 s25, s6;
	[dreg:$0x6] =	wrdreg s7  }
0x1c: {  	s7 =	sshrl.u32 s18, $0x3;
	s18 =	sadd.s32 $0x208000, s4;
	s6 =	sor.u32 $0x80000, s6  }
0x1d: {  	s4 =	simm.s32 $0xC000;
	s7 =	sadd.s32 s3, s7;
	s3 =	sshll.u32 s23, $0xC  }
0x1e: {  	s6 =	sshrl.u32 s6, $0x3;
	[dreg:$0x7] =	wrdreg s7;
	s3 =	sadd.s32 s3, s5  }
0x1f: {  	s20 =	sadd.s32 s6, s0;
	s0 =	simm.s32 $0x1;
	s5 =	simm.s32 $0x0  }
0x20: {  	s26 =	sadd.s32 s1, s3;
	s1 =	simm.s32 $0x3C00;
	s3 =	simm.s32 $0xC400  }
0x21: {  	s6 =	sadd.s32 $0x90000, s26;
	s22 =	sadd.s32 $0x110000, s26;
	s23 =	sadd.s32 $0x190000, s26  }
0x22: {  	s24 =	sadd.s32 $0x210000, s26;
	s25 =	sadd.s32 $0x290000, s26;
	s26 =	sadd.s32 $0x8000, s21  }
.LBB2_1:
0x23: {  	s7 =	rddreg [dreg:$0x3]  }
0x24: {  	[tilespmem:s2], [sflag:$0x2] =	stream.linear.gather [hbm4b:s7+s2], $0x8400, $0x38;
	[tilespmem:$0x10800] =	vst v63  }
0x25: {  	_ =	swait.ge [sflag:s29], $0x8400  }
0x26: {  	[sflag:s29] =	ssyncset.done $0x0  }
0x27: {  	s9 =	rddreg [dreg:$0x4];
	[sflag:s29] =	ssyncadd.s32 $0xFFFF7C00  }
0x28: {  	[tilespmem:s30], [sflag:$0x2] =	stream.linear.gather [hbm4b:s9+s2], $0x8400, $0x38;
	[tilespmem:$0x10800] =	vst v63  }
0x29: {  	_ = 	snop  }
0x2a: {  	[hbm4b:s14+s2] =	stream.linear.scatter [tilespmem:s31], [sflag:$0x1], $0x4000, $0x38;
	[tilespmem:$0x10800] =	vst v63  }
0x2b: {  	_ = 	snop  }
0x2c: {  	[hbm4b:s16+s2] =	stream.linear.scatter [tilespmem:s1], [sflag:$0x1], $0x4000, $0x38;
	[tilespmem:$0x10800] =	vst v63  }
0x2d: {  	s21 =	simm.s32 $0x3800  }
0x2e: {  	[hbm4b:s20+s2] =	stream.linear.scatter [tilespmem:s21], [sflag:$0x1], $0x4000, $0x38;
	[tilespmem:$0x10800] =	vst v63  }
0x2f: {  	_ =	swait.ge [sflag:s0], $0x4000  }
0x30: {  	s7 =	simm.s32 $0xD000;
	s21 =	smov.u32 s20;
	[sflag:s0] =	ssyncset.done $0x0  }
.LBB2_2:
0x31: {  	s9 =	sshra.s32 s7, $0x2  }
0x32: {  	[sflag:s0] =	ssyncadd.s32 $0xFFFFC000;
	s21 =	sadd.s32 $0x8000, s21;
	p0 =	sne.s32 s7, $0x1000  }
0x33: {  	[hbm4b:s21+s2] =	stream.linear.scatter [tilespmem:s9], [sflag:$0x1], $0x4000, $0x38;
	[tilespmem:$0x10800] =	vst v63  }
.Ltmp0:
0x34: {  	_ = 	snop;
	(pc) =	sbr.rel @p0 .LBB2_2-.Ltmp0, $4  }
0x35: {  	_ = 	snop  }
0x36: {  	s7 =	sadd.s32 $0xFFFFF000, s7  }
0x37: {  	_ =	swait.ge [sflag:s0], $0x4000  }
0x38: {  	[sflag:s0] =	ssyncset.done $0x0  }
0x39: {  	[sflag:s0] =	ssyncadd.s32 $0xFFFFC000  }
0x3a: {  	_ =	swait.ge [sflag:s0], $0x4000  }
0x3b: {  	[sflag:s0] =	ssyncset.done $0x0  }
0x3c: {  	[sflag:s0] =	ssyncadd.s32 $0xFFFFC000  }
0x3d: {  	_ =	swait.ge [sflag:s0], $0x4000  }
0x3e: {  	[sflag:s0] =	ssyncset.done $0x0  }
0x3f: {  	[sflag:s0] =	ssyncadd.s32 $0xFFFFC000  }
0x40: {  	_ =	swait.ge [sflag:s29], $0x8400  }
0x41: {  	[sflag:s29] =	ssyncset.done $0x0  }
0x42: {  	s7 =	simm.s32 $0x0;
	s9 =	rddreg [dreg:$0x5];
	[sflag:s29] =	ssyncadd.s32 $0xFFFF7C00  }
0x43: {  	[tilespmem:s7], [sflag:$0x2] =	stream.linear.gather [hbm4b:s9+s7], $0x8400, $0x38;
	[tilespmem:$0x10800] =	vst v63  }
0x44: {  	_ = 	snop  }
0x45: {  	[hbm4b:s10+s7] =	stream.linear.scatter [tilespmem:s3], [sflag:$0x1], $0x4000, $0x38;
	[tilespmem:$0x10800] =	vst v63  }
0x46: {  	_ = 	snop  }
0x47: {  	[hbm4b:s26+s7] =	stream.linear.scatter [tilespmem:s4], [sflag:$0x1], $0x4000, $0x38;
	[tilespmem:$0x10800] =	vst v63  }
0x48: {  	s21 =	simm.s32 $0xBC00  }
0x49: {  	[hbm4b:s6+s2] =	stream.linear.scatter [tilespmem:s21], [sflag:$0x1], $0x4000, $0x38;
	[tilespmem:$0x10800] =	vst v63  }
0x4a: {  	s7 =	simm.s32 $0xFFFFF000;
	s21 =	smov.u32 s6;
	_ =	swait.ge [sflag:s0], $0x4000  }
.LBB2_4:
0x4b: {  	s9 =	sshra.s32 s7, $0x2  }
0x4c: {  	[sflag:s0] =	ssyncset.done $0x0;
	s21 =	sadd.s32 $0x8000, s21;
	p0 =	sne.s32 s7, $0xFFFF3000  }
.Ltmp1:
0x4d: {  	s9 =	sadd.s32 $0xBC00, s9;
	[sflag:s0] =	ssyncadd.s32 $0xFFFFC000;
	(pc) =	sbr.rel @p0 .LBB2_4-.Ltmp1, $3  }
0x4e: {  	[hbm4b:s21+s2] =	stream.linear.scatter [tilespmem:s9], [sflag:$0x1], $0x4000, $0x38;
	[tilespmem:$0x10800] =	vst v63  }
0x4f: {  	s7 =	sadd.s32 $0xFFFFF000, s7;
	_ =	sdelay $0x1  }
0x50: {  	_ =	swait.ge [sflag:s0], $0x4000  }
0x51: {  	[sflag:s0] =	ssyncset.done $0x0  }
0x52: {  	[sflag:s0] =	ssyncadd.s32 $0xFFFFC000  }
0x53: {  	_ =	swait.ge [sflag:s0], $0x4000  }
0x54: {  	[sflag:s0] =	ssyncset.done $0x0  }
0x55: {  	[sflag:s0] =	ssyncadd.s32 $0xFFFFC000  }
0x56: {  	_ =	swait.ge [sflag:s0], $0x4000  }
0x57: {  	[sflag:s0] =	ssyncset.done $0x0  }
0x58: {  	[sflag:s0] =	ssyncadd.s32 $0xFFFFC000  }
0x59: {  	_ =	swait.ge [sflag:s29], $0x8400  }
0x5a: {  	[sflag:s29] =	ssyncset.done $0x0  }
0x5b: {  	s7 =	rddreg [dreg:$0x6];
	[sflag:s29] =	ssyncadd.s32 $0xFFFF7C00  }
0x5c: {  	[tilespmem:s30], [sflag:$0x2] =	stream.linear.gather [hbm4b:s7+s2], $0x8400, $0x38;
	[tilespmem:$0x10800] =	vst v63  }
0x5d: {  	_ = 	snop  }
0x5e: {  	[hbm4b:s8+s2] =	stream.linear.scatter [tilespmem:s31], [sflag:$0x1], $0x4000, $0x38;
	[tilespmem:$0x10800] =	vst v63  }
0x5f: {  	_ = 	snop  }
0x60: {  	[hbm4b:s28+s2] =	stream.linear.scatter [tilespmem:s1], [sflag:$0x1], $0x4000, $0x38;
	[tilespmem:$0x10800] =	vst v63  }
0x61: {  	s21 =	simm.s32 $0x3800  }
0x62: {  	[hbm4b:s22+s2] =	stream.linear.scatter [tilespmem:s21], [sflag:$0x1], $0x4000, $0x38;
	[tilespmem:$0x10800] =	vst v63  }
0x63: {  	_ =	swait.ge [sflag:s0], $0x4000  }
0x64: {  	s7 =	simm.s32 $0xD000;
	s21 =	smov.u32 s22;
	[sflag:s0] =	ssyncset.done $0x0  }
.LBB2_6:
0x65: {  	s9 =	sshra.s32 s7, $0x2  }
0x66: {  	[sflag:s0] =	ssyncadd.s32 $0xFFFFC000;
	s21 =	sadd.s32 $0x8000, s21;
	p0 =	sne.s32 s7, $0x1000  }
0x67: {  	[hbm4b:s21+s2] =	stream.linear.scatter [tilespmem:s9], [sflag:$0x1], $0x4000, $0x38;
	[tilespmem:$0x10800] =	vst v63  }
.Ltmp2:
0x68: {  	_ = 	snop;
	(pc) =	sbr.rel @p0 .LBB2_6-.Ltmp2, $4  }
0x69: {  	_ = 	snop  }
0x6a: {  	s7 =	sadd.s32 $0xFFFFF000, s7  }
0x6b: {  	_ =	swait.ge [sflag:s0], $0x4000  }
0x6c: {  	[sflag:s0] =	ssyncset.done $0x0  }
0x6d: {  	[sflag:s0] =	ssyncadd.s32 $0xFFFFC000  }
0x6e: {  	_ =	swait.ge [sflag:s0], $0x4000  }
0x6f: {  	[sflag:s0] =	ssyncset.done $0x0  }
0x70: {  	[sflag:s0] =	ssyncadd.s32 $0xFFFFC000  }
0x71: {  	_ =	swait.ge [sflag:s0], $0x4000  }
0x72: {  	[sflag:s0] =	ssyncset.done $0x0  }
0x73: {  	[sflag:s0] =	ssyncadd.s32 $0xFFFFC000  }
0x74: {  	_ =	swait.ge [sflag:s29], $0x8400  }
0x75: {  	[sflag:s29] =	ssyncset.done $0x0  }
0x76: {  	s7 =	simm.s32 $0x0;
	s9 =	rddreg [dreg:$0x7];
	[sflag:s29] =	ssyncadd.s32 $0xFFFF7C00  }
0x77: {  	[tilespmem:s7], [sflag:$0x2] =	stream.linear.gather [hbm4b:s9+s7], $0x8400, $0x38;
	[tilespmem:$0x10800] =	vst v63  }
0x78: {  	s21 =	rddreg [dreg:$0x8]  }
0x79: {  	[hbm4b:s21+s7] =	stream.linear.scatter [tilespmem:s3], [sflag:$0x1], $0x4000, $0x38;
	[tilespmem:$0x10800] =	vst v63  }
0x7a: {  	_ = 	snop  }
0x7b: {  	[hbm4b:s17+s7] =	stream.linear.scatter [tilespmem:s4], [sflag:$0x1], $0x4000, $0x38;
	[tilespmem:$0x10800] =	vst v63  }
0x7c: {  	s21 =	simm.s32 $0xBC00  }
0x7d: {  	[hbm4b:s23+s2] =	stream.linear.scatter [tilespmem:s21], [sflag:$0x1], $0x4000, $0x38;
	[tilespmem:$0x10800] =	vst v63  }
0x7e: {  	s7 =	simm.s32 $0xFFFFF000;
	s21 =	smov.u32 s23;
	_ =	swait.ge [sflag:s0], $0x4000  }
.LBB2_8:
0x7f: {  	s9 =	sshra.s32 s7, $0x2  }
0x80: {  	[sflag:s0] =	ssyncset.done $0x0;
	s21 =	sadd.s32 $0x8000, s21;
	p0 =	sne.s32 s7, $0xFFFF3000  }
.Ltmp3:
0x81: {  	s9 =	sadd.s32 $0xBC00, s9;
	[sflag:s0] =	ssyncadd.s32 $0xFFFFC000;
	(pc) =	sbr.rel @p0 .LBB2_8-.Ltmp3, $3  }
0x82: {  	[hbm4b:s21+s2] =	stream.linear.scatter [tilespmem:s9], [sflag:$0x1], $0x4000, $0x38;
	[tilespmem:$0x10800] =	vst v63  }
0x83: {  	s7 =	sadd.s32 $0xFFFFF000, s7;
	_ =	sdelay $0x1  }
0x84: {  	_ =	swait.ge [sflag:s0], $0x4000  }
0x85: {  	[sflag:s0] =	ssyncset.done $0x0  }
0x86: {  	[sflag:s0] =	ssyncadd.s32 $0xFFFFC000  }
0x87: {  	_ =	swait.ge [sflag:s0], $0x4000  }
0x88: {  	[sflag:s0] =	ssyncset.done $0x0  }
0x89: {  	[sflag:s0] =	ssyncadd.s32 $0xFFFFC000  }
0x8a: {  	_ =	swait.ge [sflag:s0], $0x4000  }
0x8b: {  	[sflag:s0] =	ssyncset.done $0x0  }
0x8c: {  	[sflag:s0] =	ssyncadd.s32 $0xFFFFC000  }
0x8d: {  	_ =	swait.ge [sflag:s29], $0x8400  }
0x8e: {  	[sflag:s29] =	ssyncset.done $0x0  }
0x8f: {  	[sflag:s29] =	ssyncadd.s32 $0xFFFF7C00  }
0x90: {  	[tilespmem:s30], [sflag:$0x2] =	stream.linear.gather [hbm4b:s11+s2], $0x8400, $0x38;
	[tilespmem:$0x10800] =	vst v63  }
0x91: {  	_ = 	snop  }
0x92: {  	[hbm4b:s12+s2] =	stream.linear.scatter [tilespmem:s31], [sflag:$0x1], $0x4000, $0x38;
	[tilespmem:$0x10800] =	vst v63  }
0x93: {  	_ = 	snop  }
0x94: {  	[hbm4b:s18+s2] =	stream.linear.scatter [tilespmem:s1], [sflag:$0x1], $0x4000, $0x38;
	[tilespmem:$0x10800] =	vst v63  }
0x95: {  	s7 =	simm.s32 $0x3800  }
0x96: {  	[hbm4b:s24+s2] =	stream.linear.scatter [tilespmem:s7], [sflag:$0x1], $0x4000, $0x38;
	[tilespmem:$0x10800] =	vst v63  }
0x97: {  	_ =	swait.ge [sflag:s0], $0x4000  }
0x98: {  	s21 =	smov.u32 s24;
	s7 =	simm.s32 $0xD000;
	[sflag:s0] =	ssyncset.done $0x0  }
.LBB2_10:
0x99: {  	s9 =	sshra.s32 s7, $0x2  }
0x9a: {  	[sflag:s0] =	ssyncadd.s32 $0xFFFFC000;
	s21 =	sadd.s32 $0x8000, s21;
	p0 =	sne.s32 s7, $0x1000  }
0x9b: {  	[hbm4b:s21+s2] =	stream.linear.scatter [tilespmem:s9], [sflag:$0x1], $0x4000, $0x38;
	[tilespmem:$0x10800] =	vst v63  }
.Ltmp4:
0x9c: {  	_ = 	snop;
	(pc) =	sbr.rel @p0 .LBB2_10-.Ltmp4, $4  }
0x9d: {  	_ = 	snop  }
0x9e: {  	s7 =	sadd.s32 $0xFFFFF000, s7  }
0x9f: {  	_ =	swait.ge [sflag:s0], $0x4000  }
0xa0: {  	[sflag:s0] =	ssyncset.done $0x0  }
0xa1: {  	[sflag:s0] =	ssyncadd.s32 $0xFFFFC000  }
0xa2: {  	_ =	swait.ge [sflag:s0], $0x4000  }
0xa3: {  	[sflag:s0] =	ssyncset.done $0x0  }
0xa4: {  	[sflag:s0] =	ssyncadd.s32 $0xFFFFC000  }
0xa5: {  	_ =	swait.ge [sflag:s0], $0x4000  }
0xa6: {  	[sflag:s0] =	ssyncset.done $0x0  }
0xa7: {  	[sflag:s0] =	ssyncadd.s32 $0xFFFFC000  }
0xa8: {  	_ =	swait.ge [sflag:s29], $0x8400  }
0xa9: {  	[sflag:s29] =	ssyncset.done $0x0  }
0xaa: {  	s7 =	simm.s32 $0x0;
	[sflag:s29] =	ssyncadd.s32 $0xFFFF7C00  }
0xab: {  	[hbm4b:s13+s7] =	stream.linear.scatter [tilespmem:s3], [sflag:$0x1], $0x4000, $0x38;
	[tilespmem:$0x10800] =	vst v63  }
0xac: {  	_ = 	snop  }
0xad: {  	[hbm4b:s19+s7] =	stream.linear.scatter [tilespmem:s4], [sflag:$0x1], $0x4000, $0x38;
	[tilespmem:$0x10800] =	vst v63  }
0xae: {  	s21 =	simm.s32 $0xBC00  }
0xaf: {  	[hbm4b:s25+s2] =	stream.linear.scatter [tilespmem:s21], [sflag:$0x1], $0x4000, $0x38;
	[tilespmem:$0x10800] =	vst v63  }
0xb0: {  	s7 =	simm.s32 $0xFFFFF000;
	s21 =	smov.u32 s25;
	_ =	swait.ge [sflag:s0], $0x4000  }
.LBB2_12:
0xb1: {  	s9 =	sshra.s32 s7, $0x2  }
0xb2: {  	[sflag:s0] =	ssyncset.done $0x0;
	s21 =	sadd.s32 $0x8000, s21;
	p0 =	sne.s32 s7, $0xFFFF3000  }
.Ltmp5:
0xb3: {  	s9 =	sadd.s32 $0xBC00, s9;
	[sflag:s0] =	ssyncadd.s32 $0xFFFFC000;
	(pc) =	sbr.rel @p0 .LBB2_12-.Ltmp5, $3  }
0xb4: {  	[hbm4b:s21+s2] =	stream.linear.scatter [tilespmem:s9], [sflag:$0x1], $0x4000, $0x38;
	[tilespmem:$0x10800] =	vst v63  }
0xb5: {  	s7 =	sadd.s32 $0xFFFFF000, s7;
	_ =	sdelay $0x1  }
0xb6: {  	_ =	swait.ge [sflag:s0], $0x4000  }
0xb7: {  	[sflag:s0] =	ssyncset.done $0x0  }
0xb8: {  	s5 =	sadd.s32 $0x1, s5;
	[sflag:s0] =	ssyncadd.s32 $0xFFFFC000  }
0xb9: {  	p0 =	sne.s32 s5, s15;
	_ =	swait.ge [sflag:s0], $0x4000  }
.Ltmp6:
0xba: {  	[sflag:s0] =	ssyncset.done $0x0;
	(pc) =	sbr.rel @p0 .LBB2_1-.Ltmp6, $4  }
0xbb: {  	[sflag:s0] =	ssyncadd.s32 $0xFFFFC000  }
0xbc: {  	_ =	swait.ge [sflag:s0], $0x4000  }
0xbd: {  	[sflag:s0] =	ssyncset.done $0x0  }
0xbe: {  	[sflag:s0] =	ssyncadd.s32 $0xFFFFC000  }
0xbf: {  	_ =	sfence.sel $0x180000  }
0xc0: {  	[bflag:$0x0] =	sbarrier.arrive $0xFFFF  }
0xc1: {  	_ =	strace $0x9000004A  }
0xc2: {  	s0 =	stileid.u32;
	[bflag:$0x2] =	sbarrier.arrive $0xFFFF  }
0xc3: {  	p0 =	sne.s32 s0, $0x0;
	s0 =	rddreg [dreg:$0x2]  }
0xc4: {  	s0 =	sadd.s32 @!p0 $0x100000, s0  }
0xc5: {  	[sflag:s0] =	ssyncadd.tile.s32 @!p0 $0x1;
	_ =	shalt  }
.Lfunc_end2:
_tile_overlayer_lowered:
.L_overlay_start_2:
0xc6: {  	(tag) =	ssettag $0x2  }
0xc7: {  	s0 =	rddreg [dreg:$0x0];
	s2 =	stileid.u32  }
0xc8: {  	s1 =	rddreg [dreg:$0x1];
	p0 =	sne.s32 s2, $0x0  }
0xc9: {  	s3 =	rddreg [dreg:$0x2];
	[bflag:$0x3] =	sbarrier.arrive $0xFFFF;
	s2 =	simm.s32 @!p0 $0x1C03  }
0xca: {  	[timem:s3], [sflag:s2] =	dma.local @!p0 [hbm:s0], s1  }
0xcb: {  	s0 =	simm.s32 @!p0 $0x3  }
0xcc: {  	_ =	swait.ge @!p0 [sflag:s0], s1  }
0xcd: {  	s1 =	ssub.s32 @!p0 $0x0, s1;
	[sflag:s0] =	ssyncset.done @!p0 $0x0  }
0xce: {  	[sflag:s0] =	ssyncadd.s32 @!p0 s1  }
0xcf: {  	[bflag:$0x3] =	sbarrier.arrive $0xFFFF  }
0xd0: {  	_ =	shalt  }

// kernel: sparse-core-data-format-call.cloned.1.call-start
scs
called_computation_lowered:
.L_overlay_start_0:
0x0: {  	s2 =	sld [smem:$0x3FD9]  }
0x1: {  	s3 =	sld [smem:$0x3FFE];
	_ =	sdelay $0x1  }
0x2: {  	s1 =	srdreg.scid  }
0x3: {  	s0 =	sand.u32 $0x1, s1  }
0x4: {  	s18 =	sshll.u32 s0, $0xA;
	s2 =	sadd.s32 s3, s2  }
0x5: {  	s2 =	sadd.s32 s2, s18  }
0x6: {  	[smem:$0x3FC5] =	sst s2  }
0x7: {  	_ = 	snop  }
0x8: {  	s2 =	sld [smem:$0x3FD0];
	(tm) =	ssettm $0x1  }
0x9: {  	s19 =	sld [smem:$0x3FFB];
	_ =	sdelay $0x3  }
0xa: {  	_ =	strace s19  }
0xb: {  	s3 =	sld [smem:$0x3FFC];
	_ =	sdelay $0x3  }
0xc: {  	_ =	strace s3  }
0xd: {  	s3 =	sld [smem:$0x3FFD];
	_ =	sdelay $0x3  }
0xe: {  	_ =	strace s3  }
0xf: {  	_ =	strace $0x8FFFFFFF  }
0x10: {  	s20 =	sld [smem:$0x3FDB];
	_ =	sdelay $0x1  }
0x11: {  	s4 =	simm.s32 $_scs_section_size  }
0x12: {  	s5 =	simm.s32 $_size__tile_overlayer_lowered;
	s6 =	simm.s32 $_tile_overlayer_lowered  }
0x13: {  	s23 =	simm.s32 $0x1BFF;
	s22 =	sshll.u32 s6, $0x1;
	s3 =	sadd.s32 s4, s20  }
0x14: {  	s7 =	simm.s32 $0x0;
	s21 =	sshll.u32 s5, $0x1;
	s5 =	sadd.s32 s22, s3  }
0x15: {  	[timem:s7], [sflag:s23] =	dma.local [hbm:s5], s21  }
0x16: {  	_ =	swait.ge [sflag:s23], s21  }
0x17: {  	s4 =	ssub.s32 $0x0, s21;
	[sflag:s23] =	ssyncset.done $0x0  }
0x18: {  	[sflag:s23] =	ssyncadd.s32 s4;
	_ =	sdelay $0x1  }
0x19: {  	s24 =	simm.s32 $0x1B8B  }
0x1a: {  	_ =	swait.ge [sflag:s24], $0x1  }
0x1b: {  	[sflag:s24] =	ssyncset.done $0x0  }
0x1c: {  	s26 =	simm.s32 $0x1B8E;
	s25 =	sld [smem:$0x3FFE];
	[sflag:s24] =	ssyncadd.s32 $0xFFFFFFFF  }
0x1d: {  	s27 =	simm.s32 $execute0_lowered;
	[smem:$0x3FD2] =	sst s26  }
0x1e: {  	s5 =	sshll.u32 s27, $0x1;
	_ =	strace $0x80000046;
	[dreg:$0x1] =	wrdreg $0xFFFFFFFF  }
0x1f: {  	s28 =	simm.s32 $_size_execute0_lowered;
	s3 =	sadd.s32 s3, s5;
	[dreg:$0x0] =	wrdreg $0x0  }
0x20: {  	s5 =	sshll.u32 s28, $0x1;
	[dreg:$0x2] =	wrdreg s3  }
0x21: {  	[dreg:$0x3] =	wrdreg s5  }
0x22: {  	[dreg:$0x4] =	wrdreg $0xC0  }
0x23: {  	_ =	task [dreg:s7], $0x5FFFF  }
0x24: {  	[dreg:$0x1] =	wrdreg $0xFFFFFFFF  }
0x25: {  	[dreg:$0x0] =	wrdreg $0x60  }
0x26: {  	[dreg:$0x2] =	wrdreg s25  }
0x27: {  	[dreg:$0x3] =	wrdreg s2  }
0x28: {  	[dreg:$0x4] =	wrdreg $0x9  }
0x29: {  	_ =	task.clear_ibuf [dreg:s7], $0x5FFFF;
	_ =	strace $0x90000046  }
0x2a: {  	s29 =	simm.s32 $0x9;
	_ =	strace $0x80000048  }
0x2b: {  	_ =	swait.ge [sflag:s29], $0x1  }
0x2c: {  	[sflag:s29] =	ssyncadd.s32 $0xFFFFFFFF  }
0x2d: {  	_ =	strace $0x90000048  }
0x2e: {  	_ =	sfence  }
0x2f: {  	s30 =	sld [smem:$0x0];
	_ =	sdelay $0x2  }
0x30: {  	s31 =	sshll.u32 s1, $0xD;
	s1 =	sshrl.u32 s1, $0x2  }
0x31: {  	s3 =	sand.u32 $0x4000, s31;
	s1 =	sadd.s32 s1, s30  }
0x32: {  	s0 =	sor.u32 s3, s0;
	s1 =	sshll.u32 s1, $0x11  }
0x33: {  	s0 =	sor.u32 s1, s0  }
0x34: {  	s0 =	sadd.s32 $0x8F2B, s0  }
0x35: {  	[sflag:s0] =	ssyncadd.remote.s32 $0x1  }
0x36: {  	_ =	sfence.sel $0xFFFF  }
0x37: {  	[dreg:$0x0] =	wrdreg $0xFFFFFFFF;
	(pc) =	sbr.abs _section_cstart, $3  }
0x38: {  	[dreg:$0x1] =	wrdreg $0xFFFFFFFF  }
0x39: {  	_ =	task.clear_ibuf [dreg:s7], $0x2FFFF;
	_ =	strace $0x9FFFFFFF  }
0x3a: {  	(tm) =	ssettm $0x7FFFFFFF  }
0x3b: {  	_ =	shalt  }
tec
execute0_lowered:
.L_overlay_start_1:
0x0: {  	(tag) =	ssettag $0x1  }
0x1: {  	s7 =	rddreg [dreg:$0x0]  }
0x2: {  	s0 =	stileid.u32;
	s2 =	rddreg [dreg:$0x1]  }
0x3: {  	s4 =	srdreg.scid;
	s1 =	rddreg [dreg:$0x2];
	_ =	strace $0x80000047  }
0x4: {  	s9 =	simm.s32 $0x11;
	s10 =	simm.s32 $0x2;
	s18 =	simm.s32 $0x0  }
0x5: {  	s16 =	simm.s32 $0x0;
	s19 =	simm.s32 $0x0;
	s17 =	simm.s32 $0x0  }
0x6: {  	s13 =	simm.s32 $0x0;
	s15 =	simm.s32 $0x0;
	s3 =	sand.u32 $0x1, s0  }
0x7: {  	s4 =	sshll.u32 s4, $0x7;
	s7 =	sadd.s32 $0x800, s7;
	s5 =	ssub.s32 $0x2, s3  }
0x8: {  	s4 =	sand.u32 $0x80, s4;
	s14 =	smov.u32 s3;
	s6 =	sshrl.u32 s5, $0x1  }
.Ltmp0:
0x9: {  	s8 =	sand.u32 $0x1, s5;
	p0 =	seq.s32 s4, $0x0;
	(pc) =	sbr.rel .LBB1_1-.Ltmp0, $4  }
0xa: {  	s5 =	simm.s32 $0x1;
	s6 =	sadd.s32 s8, s6;
	s9 =	simm.s32 @!p0 $0x10  }
0xb: {  	s11 =	smov.u32 s4;
	[sflag:s5] =	ssyncpa.u1 $0x0;
	s6 =	smul.u32 s6, s9  }
0xc: {  	s8 =	sshrl.u32 s0, $0x1;
	p0 =	por $0x0, $0x0;
	[sflag:s10] =	ssyncpa.u1 $0x0  }
0xd: {  	s10 =	simm.s32 $0x8400;
	s12 =	smov.u32 s8;
	s9 =	sadd.s32 $0x1, s6  }
.LBB1_4:
0xe: {  	_ =	sdelay $0x2  }
0xf: {  	s23 =	sshrl.u32 s19, $0x3  }
0x10: {  	s24 =	sshll.u32 s18, $0x3;
	[tilespmem:v0+s22+$0xFFFFFFD0 ss:$0x1] =	vst.idx.msk $0xffff, v7;
	s23 =	smul.u32 $0x8400, s23  }
0x11: {  	s27 =	sshll.u32 s19, $0x7;
	v56 =	vld.idx.msk [tilespmem:v1+s21+$0x0 ss:$0x1], $0xffff;
	[tilespmem:v0+s22+$0xFFFFFFE0 ss:$0x1] =	vst.idx.msk $0xffff, v5;
	s24 =	sand.u32 $0xFFFFFC00, s24  }
0x12: {  	v57 =	vld.idx.msk [tilespmem:v1+s21+$0xFFFFFF90 ss:$0x1], $0xffff;
	[tilespmem:v0+s22+$0xFFFFFFF0 ss:$0x1] =	vst.idx.msk $0xffff, v4;
	s19 =	sand.u32 $0x380, s27;
	s23 =	sadd.s32 s23, s24  }
0x13: {  	s28 =	sand.u32 $0x7F, s18;
	v58 =	vld.idx.msk [tilespmem:v1+s21+$0xFFFFFFA0 ss:$0x1], $0xffff;
	[tilespmem:v0+s22+$0x0 ss:$0x1] =	vst.idx.msk $0xffff, v2;
	s19 =	sor.u32 s19, s23  }
0x14: {  	v59 =	vld.idx.msk [tilespmem:v1+s21+$0xFFFFFFB0 ss:$0x1], $0xffff;
	[tilespmem:v0+s22+$0x10 ss:$0x1] =	vst.idx.msk $0xffff, v3;
	s18 =	sor.u32 s28, s19  }
0x15: {  	[tilespmem:v0+s22+$0x20 ss:$0x1] =	vst.idx.msk $0xffff, v6;
	v60 =	vld.idx.msk [tilespmem:v1+s21+$0xFFFFFFC0 ss:$0x1], $0xffff;
	s29 =	smulhi.u32 $0x3E0F83E1, s18  }
0x16: {  	v61 =	vld.idx.msk [tilespmem:v1+s21+$0xFFFFFFD0 ss:$0x1], $0xffff;
	[tilespmem:v0+s21+$0x30 ss:$0x1] =	vst.idx.msk $0xffff, v56;
	s19 =	smulhi.u32 $0x3E0F83E1, s19  }
0x17: {  	v62 =	vld.idx.msk [tilespmem:v1+s21+$0xFFFFFFE0 ss:$0x1], $0xffff;
	s17 =	smul.u32 $0x84000, s17;
	[tilespmem:v0+s21+$0xFFFFFFC0 ss:$0x1] =	vst.idx.msk $0xffff, v57;
	s30 =	sshrl.u32 s29, $0xA  }
0x18: {  	v63 =	vld.idx.msk [tilespmem:v1+s21+$0xFFFFFFF0 ss:$0x1], $0xffff;
	[tilespmem:v0+s21+$0xFFFFFFD0 ss:$0x1] =	vst.idx.msk $0xffff, v58;
	s19 =	sshrl.u32 s19, $0xA;
	s22 =	smul.u32 $0x1080, s30  }
0x19: {  	s16 =	smul.u32 $0x10800, s16;
	[tilespmem:v0+s21+$0xFFFFFFE0 ss:$0x1] =	vst.idx.msk $0xffff, v59;
	s19 =	sand.u32 $0x7F, s19  }
0x1a: {  	s17 =	sadd.s32 s2, s17;
	[tilespmem:v0+s21+$0xFFFFFFF0 ss:$0x1] =	vst.idx.msk $0xffff, v60;
	s19 =	smul.u32 $0x210, s19;
	s18 =	ssub.s32 s18, s22  }
0x1b: {  	s16 =	sadd.s32 s16, s17;
	[tilespmem:v0+s21+$0x0 ss:$0x1] =	vst.idx.msk $0xffff, v61;
	s31 =	sand.u32 $0x7, s18  }
0x1c: {  	[tilespmem:v0+s21+$0x10 ss:$0x1] =	vst.idx.msk $0xffff, v62;
	s16 =	sadd.s32 s19, s16;
	s18 =	sshrl.u32 s18, $0x3;
	s17 =	sshll.u32 s31, $0x12  }
0x1d: {  	[tilespmem:v0+s21+$0x20 ss:$0x1] =	vst.idx.msk $0xffff, v63;
	s16 =	sadd.s32 s18, s16;
	s17 =	sor.u32 $0x400, s17  }
0x1e: {  	[hbm4b:s16+s17] =	stream.strided.scatter [tilespmem:s20], [sflag:$0x2], $0x4000, s10, s17, $0x38;
	[tilespmem:$0x10000] =	vst v63  }
.LBB1_5:
0x1f: {  	s20 =	sadd.s32 $0x100, s11  }
0x20: {  	s16 =	sadd.s32 $0x8, s12;
	s21 =	smov.u32 s12;
	p2 =	sgt.s32 s20, $0x107F  }
0x21: {  	s21 =	smov.u32 @p2 s16  }
0x22: {  	s22 =	smov.u32 s13;
	s16 =	sadd.s32 $0x80, s13;
	p3 =	sgt.s32 s21, $0x7  }
0x23: {  	s22 =	smov.u32 @p3 s16  }
0x24: {  	s23 =	smov.u32 s14;
	s16 =	sadd.s32 $0x2, s14;
	p4 =	sgt.s32 s22, $0x7F  }
0x25: {  	p1 =	slt.u32 s15, $0x2;
	s23 =	smov.u32 @p4 s16  }
0x26: {  	s18 =	smov.u32 s11;
	s20 =	smov.u32 @p2 s4;
	p2 =	sgt.s32 s23, $0x1  }
0x27: {  	s24 =	simm.s32 @!p1 $0x2;
	s23 =	smov.u32 @p2 s3;
	p2 =	sne.s32 s15, s9  }
.Ltmp1:
0x28: {  	s19 =	smov.u32 s13;
	_ =	swait.ge @!p1 [sflag:s24], $0x4000;
	(pc) =	sbr.rel @!p2 .LBB1_6-.Ltmp1, $4  }
0x29: {  	s17 =	smov.u32 s14;
	p0 =	por !p0, !p0;
	[sflag:s24] =	ssyncset.done @!p1 $0x0  }
0x2a: {  	s11 =	smov.u32 s20;
	s21 =	smov.u32 @p3 s8;
	[sflag:s24] =	ssyncadd.s32 @!p1 $0xFFFFC000  }
0x2b: {  	s22 =	simm.s32 @p4 $0x0;
	s16 =	smov.u32 s12;
	s12 =	smov.u32 s21  }
0x2c: {  	s13 =	smov.u32 s22;
	s15 =	sadd.s32 $0x1, s15;
	s14 =	smov.u32 s23  }
.LBB1_1:
0x2d: {  	p1 =	sge.u32 s15, s6  }
0x2e: {  	s20 =	sshrl.u32 @!p1 s12, $0x3  }
0x2f: {  	s21 =	sshll.u32 @!p1 s11, $0x3;
	s20 =	smul.u32 @!p1 $0x8400, s20  }
0x30: {  	s22 =	sshll.u32 @!p1 s12, $0x7;
	s21 =	sand.u32 @!p1 $0xFFFFFC00, s21  }
0x31: {  	s20 =	sadd.s32 @!p1 s20, s21;
	s21 =	sand.u32 @!p1 $0x380, s22  }
0x32: {  	s22 =	sand.u32 @!p1 $0x7F, s11;
	s20 =	sor.u32 @!p1 s21, s20  }
0x33: {  	s21 =	sor.u32 @!p1 s22, s20  }
0x34: {  	s22 =	smulhi.u32 @!p1 $0x3E0F83E1, s21  }
0x35: {  	s20 =	smulhi.u32 @!p1 $0x3E0F83E1, s20  }
0x36: {  	s31 =	sadd.s32 $0xFFFFFFFF, s15;
	s24 =	smul.u32 @!p1 $0x84000, s14;
	s22 =	sshrl.u32 @!p1 s22, $0xA  }
0x37: {  	s23 =	sxor.u32 @!p1 $0xFFFFFFFF, s15;
	s20 =	sshrl.u32 @!p1 s20, $0xA;
	s22 =	smul.u32 @!p1 $0x1080, s22  }
0x38: {  	s25 =	smul.u32 @!p1 $0x1080, s13;
	s23 =	sshll.u32 @!p1 s23, $0xE;
	s20 =	sand.u32 @!p1 $0x7, s20  }
0x39: {  	s20 =	smul.u32 @!p1 $0x210, s20;
	s21 =	ssub.s32 @!p1 s21, s22;
	s22 =	sadd.s32 @!p1 s7, s24  }
0x3a: {  	s23 =	sand.u32 @!p1 $0x4000, s23;
	s22 =	sadd.s32 @!p1 s25, s22;
	s24 =	sand.u32 @!p1 $0x7, s21  }
0x3b: {  	s21 =	sshrl.u32 @!p1 s21, $0x3;
	s20 =	sadd.s32 @!p1 s20, s22;
	s22 =	sshll.u32 @!p1 s24, $0x12  }
0x3c: {  	s20 =	sadd.s32 @!p1 s21, s20;
	s21 =	sor.u32 @!p1 $0x80, s22;
	s22 =	simm.s32 @!p1 $0x8400  }
0x3d: {  	[tilespmem:s23], [sflag:$0x1] =	stream.strided.gather @!p1 [hbm4b:s20+s21], $0x4000, s22, s21, $0x38;
	[tilespmem:$0x10000] =	vst v63  }
0x3e: {  	p1 =	sge.u32 s31, s6  }
.Ltmp2:
0x3f: {  	_ = 	snop;
	(pc) =	sbr.rel @p1 .LBB1_5-.Ltmp2, $1  }
0x40: {  	_ =	sdelay $0x3  }
0x41: {  	s20 =	simm.s32 $0x1  }
0x42: {  	s20 =	simm.s32 @!p0 $0x0  }
0x43: {  	s20 =	sshll.u32 s20, $0xE  }
0x44: {  	s21 =	sor.u32 $0x70, s20  }
0x45: {  	v1 =	vmov s21;
	_ =	sdelay $0x1  }
0x46: {  	_ =	swait.ge [sflag:s5], $0x4000  }
0x47: {  	[sflag:s5] =	ssyncset.done $0x0  }
0x48: {  	s22 =	simm.s32 $0x0;
	[sflag:s5] =	ssyncadd.s32 $0xFFFFC000  }
0x49: {  	s20 =	sor.u32 $0x8040, s20;
	v6 =	vld.idx.msk [tilespmem:v1+s22+$0x0 ss:$0x1], $0xffff  }
0x4a: {  	v0 =	vmov s20;
	v8 =	vld.idx.msk [tilespmem:v1+s22+$0xFFFFFF90 ss:$0x1], $0xffff  }
0x4b: {  	v7 =	vld.idx.msk [tilespmem:v1+s22+$0xFFFFFFA0 ss:$0x1], $0xffff  }
0x4c: {  	v5 =	vld.idx.msk [tilespmem:v1+s22+$0xFFFFFFB0 ss:$0x1], $0xffff  }
0x4d: {  	v4 =	vld.idx.msk [tilespmem:v1+s22+$0xFFFFFFC0 ss:$0x1], $0xffff  }
0x4e: {  	s31 =	sshll.u32 s15, $0xE;
	v2 =	vld.idx.msk [tilespmem:v1+s22+$0xFFFFFFD0 ss:$0x1], $0xffff  }
0x4f: {  	s20 =	sand.u32 $0x4000, s31;
	v3 =	vld.idx.msk [tilespmem:v1+s22+$0xFFFFFFE0 ss:$0x1], $0xffff;
	[tilespmem:v0+s22+$0x30 ss:$0x1] =	vst.idx.msk $0xffff, v6  }
0x50: {  	s23 =	simm.s32 $0x400;
	s21 =	simm.s32 $0x80;
	s20 =	sor.u32 $0x8000, s20;
	[tilespmem:v0+s22+$0xFFFFFFC0 ss:$0x1] =	vst.idx.msk $0xffff, v8;
	v6 =	vld.idx.msk [tilespmem:v1+s22+$0xFFFFFFF0 ss:$0x1], $0xffff  }
.LBB1_3:
0x51: {  	p1 =	sne.s32 s23, $0xFE00;
	v8 =	vld.idx.msk [tilespmem:v1+s21+$0x0 ss:$0x1], $0xffff;
	[tilespmem:v0+s22+$0xFFFFFFD0 ss:$0x1] =	vst.idx.msk $0xffff, v7  }
0x52: {  	v9 =	vld.idx.msk [tilespmem:v1+s21+$0xFFFFFF90 ss:$0x1], $0xffff;
	[tilespmem:v0+s22+$0xFFFFFFE0 ss:$0x1] =	vst.idx.msk $0xffff, v5  }
0x53: {  	v7 =	vld.idx.msk [tilespmem:v1+s21+$0xFFFFFFA0 ss:$0x1], $0xffff;
	[tilespmem:v0+s22+$0xFFFFFFF0 ss:$0x1] =	vst.idx.msk $0xffff, v4  }
.Ltmp3:
0x54: {  	v5 =	vld.idx.msk [tilespmem:v1+s21+$0xFFFFFFB0 ss:$0x1], $0xffff;
	[tilespmem:v0+s22+$0x0 ss:$0x1] =	vst.idx.msk $0xffff, v2;
	(pc) =	sbr.rel @p1 .LBB1_3-.Ltmp3, $4  }
0x55: {  	v4 =	vld.idx.msk [tilespmem:v1+s21+$0xFFFFFFC0 ss:$0x1], $0xffff;
	[tilespmem:v0+s22+$0x10 ss:$0x1] =	vst.idx.msk $0xffff, v3  }
0x56: {  	v2 =	vld.idx.msk [tilespmem:v1+s21+$0xFFFFFFD0 ss:$0x1], $0xffff;
	[tilespmem:v0+s22+$0x20 ss:$0x1] =	vst.idx.msk $0xffff, v6;
	s22 =	smov.u32 s21  }
0x57: {  	v3 =	vld.idx.msk [tilespmem:v1+s22+$0xFFFFFFE0 ss:$0x1], $0xffff;
	[tilespmem:v0+s22+$0x30 ss:$0x1] =	vst.idx.msk $0xffff, v8  }
0x58: {  	s21 =	sshra.s32 s23, $0x2;
	s23 =	sadd.s32 $0x200, s23;
	[tilespmem:v0+s22+$0xFFFFFFC0 ss:$0x1] =	vst.idx.msk $0xffff, v9;
	v6 =	vld.idx.msk [tilespmem:v1+s22+$0xFFFFFFF0 ss:$0x1], $0xffff  }
.Ltmp4:
0x59: {  	_ = 	snop;
	(pc) =	sbr.rel .LBB1_4-.Ltmp4, $1  }
0x5a: {  	_ =	sdelay $0x3  }
.LBB1_6:
0x5b: {  	_ =	sfence.sel $0x180000  }
0x5c: {  	s2 =	simm.s32 $0x1;
	[bflag:$0x0] =	sbarrier.arrive $0xFFFF  }
0x5d: {  	s31 =	simm.s32 $0x2;
	[sflag:s2] =	ssyncpa.u1 $0x1  }
0x5e: {  	[sflag:s31] =	ssyncpa.u1 $0x1  }
0x5f: {  	p0 =	sne.s32 s0, $0x0;
	_ =	strace $0x90000047  }
0x60: {  	s0 =	sadd.s32 @!p0 $0x100000, s1;
	[bflag:$0x2] =	sbarrier.arrive $0xFFFF  }
0x61: {  	[sflag:s0] =	ssyncadd.tile.s32 @!p0 $0x1;
	_ =	shalt  }
.Lfunc_end1:
_tile_overlayer_lowered:
.L_overlay_start_2:
0x62: {  	(tag) =	ssettag $0x2  }
0x63: {  	s0 =	rddreg [dreg:$0x0];
	s2 =	stileid.u32  }
0x64: {  	s1 =	rddreg [dreg:$0x1];
	p0 =	sne.s32 s2, $0x0  }
0x65: {  	s3 =	rddreg [dreg:$0x2];
	[bflag:$0x3] =	sbarrier.arrive $0xFFFF;
	s2 =	simm.s32 @!p0 $0x1C01  }
0x66: {  	[timem:s3], [sflag:s2] =	dma.local @!p0 [hbm:s0], s1  }
0x67: {  	s0 =	simm.s32 @!p0 $0x1  }
0x68: {  	_ =	swait.ge @!p0 [sflag:s0], s1  }
0x69: {  	s1 =	ssub.s32 @!p0 $0x0, s1;
	[sflag:s0] =	ssyncset.done @!p0 $0x0  }
0x6a: {  	[sflag:s0] =	ssyncadd.s32 @!p0 s1  }
0x6b: {  	[bflag:$0x3] =	sbarrier.arrive $0xFFFF  }
0x6c: {  	_ =	shalt  }

</sc_bundles>
